<compile_context>
chip_gen: v7x
topology: tpu7x:2x2x1
jax: 0.10.2.dev20260603
libtpu: 0.0.44.dev20260713+nightly
codegen_flags: <defaults>
</compile_context>

<pallas_src>
import functools

import jax
import jax.numpy as jnp
from jax import lax
from jax.experimental import pallas as pl
from jax.experimental.pallas import tpu as pltpu
from jax.experimental.pallas import tpu_sc as plsc

X, Y, Z = 96, 96, 48
NV = X * Y * Z
B, C, H, W = 2, 32, 120, 160
HW = H * W
BHW = B * HW
BNV = B * NV
VS = 0.04
SENT = 2 ** 30
NW = 32
LSIZE = BNV // NW
CHUNK = 2400
NCH = BHW // CHUNK
TW = 128
VOLW = B * C * NV
IGN = -1


def _prep_body(d_ref, p_ref, o_ref):
    d = d_ref[...]
    hwi = lax.broadcasted_iota(jnp.int32, (B, HW), 1)
    u = (hwi % W).astype(jnp.float32)
    v = (hwi // W).astype(jnp.float32)

    def b16(x):
        return x.astype(jnp.bfloat16).astype(jnp.float32)

    ud = b16(u * d)
    vd = b16(v * d)
    db = b16(d)

    def wrow(i):
        m0 = b16(p_ref[:, 4 * i + 0:4 * i + 1])
        m1 = b16(p_ref[:, 4 * i + 1:4 * i + 2])
        m2 = b16(p_ref[:, 4 * i + 2:4 * i + 3])
        m3 = b16(p_ref[:, 4 * i + 3:4 * i + 4])
        return ((m0 * ud + m1 * vd) + m2 * db) + m3

    wx, wy, wz = wrow(0), wrow(1), wrow(2)
    vx = jnp.round((wx - p_ref[:, 12:13]) / VS).astype(jnp.int32)
    vy = jnp.round((wy - p_ref[:, 13:14]) / VS).astype(jnp.int32)
    vz = jnp.round((wz - p_ref[:, 14:15]) / VS).astype(jnp.int32)
    mask = ((d > 0) & (vx >= 0) & (vx < X) & (vy >= 0) & (vy < Y)
            & (vz >= 0) & (vz < Z))
    flat = vx * (Y * Z) + vy * Z + vz
    bb = lax.broadcasted_iota(jnp.int32, (B, HW), 0)
    o_ref[...] = jnp.where(mask, flat + bb * NV, SENT)


_prep = pl.pallas_call(
    _prep_body,
    out_shape=jax.ShapeDtypeStruct((B, HW), jnp.int32),
)


def _zero_body(o_ref):
    o_ref[...] = jnp.zeros_like(o_ref)


def _zeros(nrows, ncols, grid):
    return pl.pallas_call(
        _zero_body,
        grid=(grid,),
        out_specs=pl.BlockSpec((nrows // grid, ncols), lambda i: (i, 0)),
        out_shape=jax.ShapeDtypeStruct((nrows, ncols), jnp.float32),
    )


_zero_vol = _zeros(27648, 1024, 32)
_zero_valid = _zeros(864, 1024, 1)

_sc_mesh = plsc.VectorSubcoreMesh(core_axis_name="c", subcore_axis_name="s")


@functools.partial(
    pl.kernel,
    mesh=_sc_mesh,
    out_type=(),
    compiler_params=pltpu.CompilerParams(needs_layout_passes=False),
    scratch_types=[
        pltpu.VMEM((LSIZE,), jnp.int32),
        pltpu.VMEM((LSIZE + 16,), jnp.int32),
        pltpu.VMEM((CHUNK,), jnp.int32),
        pltpu.VMEM((TW,), jnp.int32),
        pltpu.VMEM((TW,), jnp.int32),
        pltpu.VMEM((TW * 32,), jnp.int32),
        pltpu.VMEM((TW, 128), jnp.float32),
        pltpu.VMEM((TW * 32,), jnp.float32),
        pltpu.VMEM((TW,), jnp.int32),
        pltpu.VMEM((TW,), jnp.float32),
        pltpu.SemaphoreType.DMA,
        pltpu.SemaphoreType.DMA,
    ],
)
def _sc_scatter(gidx_hbm, feat_hbm, vol_ref, valid_ref,
                wt, comp, gbuf, sidx, poff, didx, rows, rowsf, vidx, ones,
                sem1, sem2):
    cid = lax.axis_index("c")
    sid = lax.axis_index("s")
    wid = sid * 2 + cid
    iota = lax.iota(jnp.int32, 16)

    def p0(k, _):
        wt[pl.ds(k * 16, 16)] = jnp.zeros((16,), jnp.int32)
        return 0
    lax.fori_loop(0, LSIZE // 16, p0, 0)

    def p0b(k, _):
        ones[pl.ds(k * 16, 16)] = jnp.ones((16,), jnp.float32)
        return 0
    lax.fori_loop(0, TW // 16, p0b, 0)

    def p1c(c, _):
        pltpu.sync_copy(gidx_hbm.at[pl.ds(c * CHUNK, CHUNK)], gbuf)

        def p1v(k, _):
            g = gbuf[pl.ds(k * 16, 16)]
            mine = ((g & 31) == wid) & (g < BNV)
            local = jnp.where(mine, g >> 5, 0)
            pid = c * CHUNK + k * 16 + iota
            plsc.store_scatter(wt, [local], pid + 1, mask=mine)
            return 0
        lax.fori_loop(0, CHUNK // 16, p1v, 0)
        return 0
    lax.fori_loop(0, NCH, p1c, 0)

    def p2(k, cnt):
        wv = wt[pl.ds(k * 16, 16)]
        m = wv > 0
        packed = wv | ((k * 16 + iota) << 16)
        plsc.store_compressed(comp.at[pl.ds(cnt, 16)], packed, mask=m)
        return cnt + jnp.max(plsc.all_reduce_population_count(m))
    cnt = lax.fori_loop(0, LSIZE // 16, p2, jnp.int32(0))

    ntile = (cnt + TW - 1) // TW

    def p3(t, _):
        def bld(r, _):
            i = t * TW + (r >> 1)
            ivec = jnp.full((16,), i, jnp.int32)
            ok = ivec < cnt
            pk = plsc.load_gather(comp, [jnp.where(ok, ivec, 0)])
            g = ((pk >> 16) << 5) + wid
            b = jnp.where(g >= NV, 1, 0)
            cvec = (r & 1) * 16 + iota
            dst = (g + b * ((C - 1) * NV)) + cvec * NV
            didx[pl.ds(r * 16, 16)] = jnp.where(ok, dst, IGN)
            return 0
        lax.fori_loop(0, TW * 2, bld, 0)

        def vbld(q, _):
            ivec = t * TW + q * 16 + iota
            ok = ivec < cnt
            pk = plsc.load_gather(comp, [jnp.where(ok, ivec, 0)])
            g = ((pk >> 16) << 5) + wid
            pid = jnp.where(ok, (pk & 0xFFFF) - 1, 0)
            sidx[pl.ds(q * 16, 16)] = pid >> 2
            poff[pl.ds(q * 16, 16)] = (pid & 3) * C
            vidx[pl.ds(q * 16, 16)] = jnp.where(ok, g, IGN)
            return 0
        lax.fori_loop(0, TW // 16, vbld, 0)
        pltpu.async_copy(feat_hbm.at[sidx], rows, sem1).wait()

        def rp(r, _):
            i = jnp.full((16,), r >> 1, jnp.int32)
            off = plsc.load_gather(poff, [i])
            cvec = (r & 1) * 16 + iota
            rowsf[pl.ds(r * 16, 16)] = plsc.load_gather(rows, [i, off + cvec])
            return 0
        lax.fori_loop(0, TW * 2, rp, 0)
        pltpu.async_copy(
            rowsf, vol_ref.at[plsc.Indices(didx, ignored_value=IGN)], sem2
        ).wait()
        pltpu.async_copy(
            ones, valid_ref.at[plsc.Indices(vidx, ignored_value=IGN)], sem2
        ).wait()
        return 0
    lax.fori_loop(0, ntile, p3, 0)


def kernel(projection, feature, depth, origin):
    bottom = jnp.broadcast_to(
        jnp.array([0.0, 0.0, 0.0, 1.0], dtype=projection.dtype).reshape(1, 1, 4),
        (B, 1, 4))
    inv = jnp.linalg.inv(jnp.concatenate([projection, bottom], axis=1))
    params = jnp.concatenate(
        [inv[:, 0, :], inv[:, 1, :], inv[:, 2, :], origin], axis=1)
    params = jnp.pad(params, ((0, 0), (0, 128 - params.shape[1])))

    gidx = _prep(depth.reshape(B, HW), params).reshape(BHW)
    feat = jnp.swapaxes(feature.reshape(B, C, HW), 1, 2).reshape(BHW * C // 128, 128)

    vol_ref = jax.new_ref(_zero_vol().reshape(-1))
    valid_ref = jax.new_ref(_zero_valid().reshape(-1))
    _sc_scatter(gidx, feat, vol_ref, valid_ref)
    volume = vol_ref[...].reshape(B, C, X, Y, Z)
    valid = valid_ref[...].reshape(B, 1, X, Y, Z)
    return volume, valid

# --- scband reference (transcript-rebuilt; emitter-appended) ---
"""Pipeline reference for scband-atlas-gtdepth-1855425872149 (READ-ONLY COPY).

The authoritative reference and input builder live on the scoring server;
editing this copy changes nothing except your own understanding.
"""

import jax, jax.numpy as jnp
import numpy as np

VOXEL_DIM = (96, 96, 48)
VOXEL_SIZE = 0.04


def setup_inputs(seed: int = 0) -> dict:
    key = jax.random.key(seed)
    k1, k2 = jax.random.split(key)
    B, C, H, W = 2, 32, 120, 160
    feature = jax.random.normal(k1, (B, C, H, W), dtype=jnp.float32)
    # ground-truth depth map, strictly positive and inside the voxel volume
    depth = jax.random.uniform(k2, (B, H, W), dtype=jnp.float32, minval=0.3, maxval=1.8)
    # intrinsics for the stride-4 feature map (fx=fy=150, cx=80, cy=60), identity extrinsics
    K = np.array([[150.0, 0.0, 80.0], [0.0, 150.0, 60.0], [0.0, 0.0, 1.0]], dtype=np.float32)
    Rt = np.concatenate([np.eye(3, dtype=np.float32), np.zeros((3, 1), dtype=np.float32)], axis=1)
    projection = jnp.asarray(np.stack([K @ Rt for _ in range(B)], axis=0))
    origin = jnp.tile(jnp.array([[-1.92, -1.44, 0.0]], dtype=jnp.float32), (B, 1))
    return {"projection": projection, "feature": feature, "depth": depth, "origin": origin}


def project_with_depth(voxel_dim, voxel_size, origin, projection, features, depths):
    B, C, H, W = features.shape
    X, Y, Z = voxel_dim
    v, u = jnp.meshgrid(jnp.arange(H, dtype=jnp.float32), jnp.arange(W, dtype=jnp.float32), indexing='ij')
    u = jnp.broadcast_to(u[None, None], (B, 1, H, W))
    v = jnp.broadcast_to(v[None, None], (B, 1, H, W))
    d = depths[:, None, :, :]
    ones = jnp.ones_like(d)
    uv_results = jnp.concatenate([u * d, v * d, d, ones], axis=1).reshape(B, 4, H * W)
    bottom = jnp.broadcast_to(jnp.array([0.0, 0.0, 0.0, 1.0], dtype=projection.dtype).reshape(1, 1, 4), (B, 1, 4))
    new_projection = jnp.concatenate([projection, bottom], axis=1)
    projection_inverse = jnp.linalg.inv(new_projection)
    world_coordinate = jnp.einsum('bij,bjn->bin', projection_inverse, uv_results)[:, 0:3, :]
    origin_extend = origin[:, :, None]
    voxel_id = jnp.round((world_coordinate - origin_extend) / voxel_size).astype(jnp.int32)
    depth_mask = (depths > 0).reshape(B, H * W)
    x_mask = (voxel_id[:, 0, :] >= 0) & (voxel_id[:, 0, :] < X)
    y_mask = (voxel_id[:, 1, :] >= 0) & (voxel_id[:, 1, :] < Y)
    z_mask = (voxel_id[:, 2, :] >= 0) & (voxel_id[:, 2, :] < Z)
    mask = depth_mask & x_mask & y_mask & z_mask
    vx = jnp.clip(voxel_id[:, 0, :], 0, X - 1)
    vy = jnp.clip(voxel_id[:, 1, :], 0, Y - 1)
    vz = jnp.clip(voxel_id[:, 2, :], 0, Z - 1)
    NV = X * Y * Z
    flat = vx * (Y * Z) + vy * Z + vz
    flat = jnp.where(mask, flat, NV)  # invalid pixels scatter into dummy slot NV
    idx = (flat + jnp.arange(B, dtype=flat.dtype)[:, None] * (NV + 1)).reshape(-1)
    vals = jnp.transpose(features.reshape(B, C, H * W), (0, 2, 1)).reshape(B * H * W, C)
    vol_flat = jnp.zeros((B * (NV + 1), C), dtype=features.dtype).at[idx].set(vals)
    volume = jnp.transpose(vol_flat.reshape(B, NV + 1, C)[:, :NV, :], (0, 2, 1)).reshape(B, C, X, Y, Z)
    valid_flat = jnp.zeros((B * (NV + 1),), dtype=features.dtype).at[idx].set(1.0)
    valid = valid_flat.reshape(B, NV + 1)[:, :NV].reshape(B, 1, X, Y, Z)
    return volume, valid


def reference(projection, feature, depth, origin):
    return project_with_depth(VOXEL_DIM, VOXEL_SIZE, origin, projection, feature, depth)

if __name__ == "__main__":
    import jax
    _d = setup_inputs()
    print(jax.jit(kernel)(*tuple(_d.values())))

</pallas_src>

<mosaic_0001>
#map = affine_map<(d0, d1) -> (0)>
#map1 = affine_map<(d0, d1) -> (0, 0)>
module attributes {stable_mosaic.version = 14 : i64} {
  func.func @new_body(%arg0: i32, %arg1: i32, %arg2: memref<38400xi32, #tpu.memory_space<hbm>>, %arg3: memref<9600x128xf32, #tpu.memory_space<hbm>>, %arg4: memref<28311552xf32, #tpu.memory_space<hbm>>, %arg5: memref<884736xf32, #tpu.memory_space<hbm>>, %arg6: memref<28311552xf32, #tpu.memory_space<hbm>>, %arg7: memref<884736xf32, #tpu.memory_space<hbm>>, %arg8: memref<27648xi32, #tpu.memory_space<vmem>>, %arg9: memref<27664xi32, #tpu.memory_space<vmem>>, %arg10: memref<2400xi32, #tpu.memory_space<vmem>>, %arg11: memref<128xi32, #tpu.memory_space<vmem>>, %arg12: memref<128xi32, #tpu.memory_space<vmem>>, %arg13: memref<4096xi32, #tpu.memory_space<vmem>>, %arg14: memref<128x128xf32, #tpu.memory_space<vmem>>, %arg15: memref<4096xf32, #tpu.memory_space<vmem>>, %arg16: memref<128xi32, #tpu.memory_space<vmem>>, %arg17: memref<128xf32, #tpu.memory_space<vmem>>, %arg18: memref<!tpu.dma_semaphore, #tpu.memory_space<semaphore_mem>>, %arg19: memref<!tpu.dma_semaphore, #tpu.memory_space<semaphore_mem>>) attributes {dimension_semantics = [#tpu.dimension_semantics<core_parallel>, #tpu.dimension_semantics<subcore_parallel>], iteration_bounds = array<i64: 2, 16>, scalar_prefetch = 0 : i64, scratch_operands = 12 : i64, tpu.core_type = #tpu.core_type<sc_vector_subcore>, window_params = [{transform_indices = #map}, {transform_indices = #map1}, {transform_indices = #map}, {transform_indices = #map}, {transform_indices = #map}, {transform_indices = #map}]} {
    %mul3A = arith.constant 2 : i32
    %mul3A_0 = arith.muli %arg1, %mul3A : i32
    %add3A = arith.addi %mul3A_0, %arg0 : i32
    %iota3A = tpu.iota {dimensions = array<i32: 0>} : vector<16xi32>
    %scan3A = arith.constant 0 : i32
    %scan3A_1 = arith.constant 0 : i32
    %scan3A_2 = arith.constant 1728 : i32
    %scan3A_3 = arith.addi %scan3A_1, %scan3A_2 : i32
    %scan3A_4 = arith.constant 1 : i32
    %scan3A_5 = scf.for %scan3A_59 = %scan3A_1 to %scan3A_3 step %scan3A_4 iter_args(%scan3A_60 = %scan3A) -> (i32)  : i32 {
      %broadcast_in_dim3A = arith.constant 0 : i32
      %broadcast_in_dim3A_61 = vector.broadcast %broadcast_in_dim3A : i32 to vector<16xi32>
      %mul3A_62 = arith.constant 16 : i32
      %mul3A_63 = arith.muli %scan3A_59, %mul3A_62 : i32
      %swap3A = arith.index_cast %mul3A_63 : i32 to index
      %swap3A_64 = tpu.vector_load %arg8[%swap3A] {strides = array<i32>} : memref<27648xi32, #tpu.memory_space<vmem>>, vector<16xi32>,
      tpu.vector_store %arg8[%swap3A], %broadcast_in_dim3A_61 {strides = array<i32>} : memref<27648xi32, #tpu.memory_space<vmem>>, vector<16xi32>,
      %scan3A_65 = arith.constant 0 : i32
      scf.yield %scan3A_65 : i32
    }
    %scan3A_6 = arith.constant 1728 : i32
    %scan3A_7 = arith.constant 0 : i32
    %scan3A_8 = arith.constant 0 : i32
    %scan3A_9 = arith.constant 8 : i32
    %scan3A_10 = arith.addi %scan3A_8, %scan3A_9 : i32
    %scan3A_11 = arith.constant 1 : i32
    %scan3A_12 = scf.for %scan3A_59 = %scan3A_8 to %scan3A_10 step %scan3A_11 iter_args(%scan3A_60 = %scan3A_7) -> (i32)  : i32 {
      %broadcast_in_dim3A = arith.constant 1.000000e+00 : f32
      %broadcast_in_dim3A_61 = vector.broadcast %broadcast_in_dim3A : f32 to vector<16xf32>
      %mul3A_62 = arith.constant 16 : i32
      %mul3A_63 = arith.muli %scan3A_59, %mul3A_62 : i32
      %swap3A = arith.index_cast %mul3A_63 : i32 to index
      %swap3A_64 = tpu.vector_load %arg17[%swap3A] {strides = array<i32>} : memref<128xf32, #tpu.memory_space<vmem>>, vector<16xf32>,
      tpu.vector_store %arg17[%swap3A], %broadcast_in_dim3A_61 {strides = array<i32>} : memref<128xf32, #tpu.memory_space<vmem>>, vector<16xf32>,
      %scan3A_65 = arith.constant 0 : i32
      scf.yield %scan3A_65 : i32
    }
    %scan3A_13 = arith.constant 8 : i32
    %scan3A_14 = arith.constant 0 : i32
    %scan3A_15 = arith.constant 0 : i32
    %scan3A_16 = arith.constant 16 : i32
    %scan3A_17 = arith.addi %scan3A_15, %scan3A_16 : i32
    %scan3A_18 = arith.constant 1 : i32
    %scan3A_19 = scf.for %scan3A_59 = %scan3A_15 to %scan3A_17 step %scan3A_18 iter_args(%scan3A_60 = %scan3A_14) -> (i32)  : i32 {
      %mul3A_61 = arith.constant 2400 : i32
      %mul3A_62 = arith.muli %scan3A_59, %mul3A_61 : i32
      "tpu.region"() ({
        %run_scoped3A = tpu.sem_alloc : memref<!tpu.dma_semaphore, #tpu.memory_space<semaphore_mem>>
        %dma_start3A = tpu.memref_slice %arg2[%mul3A_62] : memref<38400xi32, #tpu.memory_space<hbm>> -> memref<2400xi32, #tpu.memory_space<hbm>>
        %dma_start3A_71 = tpu.memref_slice %arg2[%mul3A_62] : memref<38400xi32, #tpu.memory_space<hbm>> -> memref<2400xi32, #tpu.memory_space<hbm>>
        tpu.enqueue_dma source(%dma_start3A_71 : memref<2400xi32, #tpu.memory_space<hbm>>) target(%arg10 : memref<2400xi32, #tpu.memory_space<vmem>>) target_semaphore(%run_scoped3A : memref<!tpu.dma_semaphore, #tpu.memory_space<semaphore_mem>>)
        %dma_wait3A = tpu.memref_slice %arg2[%mul3A_62] : memref<38400xi32, #tpu.memory_space<hbm>> -> memref<2400xi32, #tpu.memory_space<hbm>>
        %dma_wait3A_72 = tpu.memref_slice %arg2[%mul3A_62] : memref<38400xi32, #tpu.memory_space<hbm>> -> memref<2400xi32, #tpu.memory_space<hbm>>
        tpu.wait_dma2 semaphore(%run_scoped3A : memref<!tpu.dma_semaphore, #tpu.memory_space<semaphore_mem>>) src(%dma_wait3A_72 : memref<2400xi32, #tpu.memory_space<hbm>>) dst(%arg10 : memref<2400xi32, #tpu.memory_space<vmem>>)
        tpu.yield
      }) : () -> ()
      %scan3A_63 = arith.constant 0 : i32
      %scan3A_64 = arith.constant 0 : i32
      %scan3A_65 = arith.constant 150 : i32
      %scan3A_66 = arith.addi %scan3A_64, %scan3A_65 : i32
      %scan3A_67 = arith.constant 1 : i32
      %scan3A_68 = scf.for %scan3A_71 = %scan3A_64 to %scan3A_66 step %scan3A_67 iter_args(%scan3A_72 = %scan3A_63) -> (i32)  : i32 {
        %mul3A_73 = arith.constant 16 : i32
        %mul3A_74 = arith.muli %scan3A_71, %mul3A_73 : i32
        %get3A = arith.index_cast %mul3A_74 : i32 to index
        %get3A_75 = tpu.vector_load %arg10[%get3A] {strides = array<i32>} : memref<2400xi32, #tpu.memory_space<vmem>>, vector<16xi32>,
        %and3A_76 = arith.constant 31 : i32
        %and3A_77 = vector.broadcast %and3A_76 : i32 to vector<16xi32>
        %and3A_78 = arith.andi %get3A_75, %and3A_77 : vector<16xi32>
        %eq3A = vector.broadcast %add3A : i32 to vector<16xi32>
        %eq3A_79 = arith.cmpi eq, %and3A_78, %eq3A : vector<16xi32>
        %lt3A = arith.constant 884736 : i32
        %lt3A_80 = vector.broadcast %lt3A : i32 to vector<16xi32>
        %lt3A_81 = arith.cmpi slt, %get3A_75, %lt3A_80 : vector<16xi32>
        %and3A_82 = arith.andi %eq3A_79, %lt3A_81 : vector<16xi1>
        %shift_right_arithmetic3A = arith.constant 5 : i32
        %shift_right_arithmetic3A_83 = vector.broadcast %shift_right_arithmetic3A : i32 to vector<16xi32>
        %shift_right_arithmetic3A_84 = arith.shrsi %get3A_75, %shift_right_arithmetic3A_83 : vector<16xi32>
        %jit3A_85 = arith.constant 0 : i32
        %broadcast_in_dim3A = vector.broadcast %jit3A_85 : i32 to vector<16xi32>
        %select_n3A_86 = arith.select %and3A_82, %shift_right_arithmetic3A_84, %broadcast_in_dim3A : vector<16xi1>, vector<16xi32>
        %mul3A_87 = arith.constant 2400 : i32
        %mul3A_88 = arith.muli %scan3A_59, %mul3A_87 : i32
        %mul3A_89 = arith.constant 16 : i32
        %mul3A_90 = arith.muli %scan3A_71, %mul3A_89 : i32
        %add3A_91 = arith.addi %mul3A_88, %mul3A_90 : i32
        %add3A_92 = vector.broadcast %add3A_91 : i32 to vector<16xi32>
        %add3A_93 = arith.addi %add3A_92, %iota3A : vector<16xi32>
        %add3A_94 = arith.constant 1 : i32
        %add3A_95 = vector.broadcast %add3A_94 : i32 to vector<16xi32>
        %add3A_96 = arith.addi %add3A_93, %add3A_95 : vector<16xi32>
        tpu.vector_store_idx %arg8[%select_n3A_86], %add3A_96 masked %and3A_82 : memref<27648xi32, #tpu.memory_space<vmem>>[vector<16xi32>], vector<16xi32>, vector<16xi1>
        %scan3A_97 = arith.constant 0 : i32
        scf.yield %scan3A_97 : i32
      }
      %scan3A_69 = arith.constant 150 : i32
      %scan3A_70 = arith.constant 0 : i32
      scf.yield %scan3A_70 : i32
    }
    %scan3A_20 = arith.constant 16 : i32
    %scan3A_21 = arith.constant 0 : i32
    %scan3A_22 = arith.constant 0 : i32
    %scan3A_23 = arith.constant 1728 : i32
    %scan3A_24 = arith.addi %scan3A_22, %scan3A_23 : i32
    %scan3A_25 = arith.constant 1 : i32
    %scan3A_26 = scf.for %scan3A_59 = %scan3A_22 to %scan3A_24 step %scan3A_25 iter_args(%scan3A_60 = %scan3A_21) -> (i32)  : i32 {
      %mul3A_61 = arith.constant 16 : i32
      %mul3A_62 = arith.muli %scan3A_59, %mul3A_61 : i32
      %get3A = arith.index_cast %mul3A_62 : i32 to index
      %get3A_63 = tpu.vector_load %arg8[%get3A] {strides = array<i32>} : memref<27648xi32, #tpu.memory_space<vmem>>, vector<16xi32>,
      %gt3A = arith.constant 0 : i32
      %gt3A_64 = vector.broadcast %gt3A : i32 to vector<16xi32>
      %gt3A_65 = arith.cmpi sgt, %get3A_63, %gt3A_64 : vector<16xi32>
      %mul3A_66 = arith.constant 16 : i32
      %mul3A_67 = arith.muli %scan3A_59, %mul3A_66 : i32
      %add3A_68 = vector.broadcast %mul3A_67 : i32 to vector<16xi32>
      %add3A_69 = arith.addi %add3A_68, %iota3A : vector<16xi32>
      %shift_left3A = arith.constant 16 : i32
      %shift_left3A_70 = vector.broadcast %shift_left3A : i32 to vector<16xi32>
      %shift_left3A_71 = arith.shli %add3A_69, %shift_left3A_70 : vector<16xi32>
      %or3A = arith.ori %get3A_63, %shift_left3A_71 : vector<16xi32>
      %swap3A = arith.index_cast %scan3A_60 : i32 to index
      %swap3A_72 = tpu.vector_load %arg9[%swap3A] masked %gt3A_65 {strides = array<i32>} : memref<27664xi32, #tpu.memory_space<vmem>>, vector<16xi32>, vector<16xi1>
      tpu.vector_store %arg9[%swap3A], %or3A masked %gt3A_65 {strides = array<i32>} : memref<27664xi32, #tpu.memory_space<vmem>>, vector<16xi32>, vector<16xi1>
      %all_reduce_population_count3A = tpu.all_reduce %gt3A_65 {dim = 0 : i64, kind = #tpu.reduction_kind<sum>} : vector<16xi1> -> vector<16xi32>
      %reduce_max3A = arith.constant true
      %reduce_max3A_73 = vector.broadcast %reduce_max3A : i1 to vector<16xi1>
      %reduce_max3A_74 = arith.constant -2147483648 : i32
      %reduce_max3A_75 = vector.broadcast %reduce_max3A_74 : i32 to vector<16xi32>
      %reduce_max3A_76 = arith.xori %all_reduce_population_count3A, %reduce_max3A_75 : vector<16xi32>
      %reduce_max3A_77 = tpu.scan <max>, %reduce_max3A_76 masked %reduce_max3A_73 : vector<16xi32>, vector<16xi1> -> vector<16xi32>
      %reduce_max3A_78 = arith.xori %reduce_max3A_77, %reduce_max3A_75 : vector<16xi32>
      %reduce_max3A_79 = vector.extract %reduce_max3A_78[15] : i32 from vector<16xi32>
      %add3A_80 = arith.addi %scan3A_60, %reduce_max3A_79 : i32
      scf.yield %add3A_80 : i32
    }
    %scan3A_27 = arith.constant 1728 : i32
    %add3A_28 = arith.constant 128 : i32
    %add3A_29 = arith.addi %scan3A_26, %add3A_28 : i32
    %sub3A = arith.constant 1 : i32
    %sub3A_30 = arith.subi %add3A_29, %sub3A : i32
    %jit3A = arith.constant 128 : i32
    %div3A = arith.divsi %sub3A_30, %jit3A : i32
    %sign3A = arith.constant 0 : i32
    %sign3A_31 = arith.cmpi sgt, %sub3A_30, %sign3A : i32
    %sign3A_32 = arith.extui %sign3A_31 : i1 to i32
    %sign3A_33 = arith.constant 0 : i32
    %sign3A_34 = arith.cmpi slt, %sub3A_30, %sign3A_33 : i32
    %sign3A_35 = arith.extui %sign3A_34 : i1 to i32
    %sign3A_36 = arith.subi %sign3A_32, %sign3A_35 : i32
    %sign3A_37 = arith.constant 0 : i32
    %sign3A_38 = arith.cmpi sgt, %jit3A, %sign3A_37 : i32
    %sign3A_39 = arith.extui %sign3A_38 : i1 to i32
    %sign3A_40 = arith.constant 0 : i32
    %sign3A_41 = arith.cmpi slt, %jit3A, %sign3A_40 : i32
    %sign3A_42 = arith.extui %sign3A_41 : i1 to i32
    %sign3A_43 = arith.subi %sign3A_39, %sign3A_42 : i32
    %ne3A = arith.cmpi ne, %sign3A_36, %sign3A_43 : i32
    %rem3A = arith.remsi %sub3A_30, %jit3A : i32
    %ne3A_44 = arith.constant 0 : i32
    %ne3A_45 = arith.cmpi ne, %rem3A, %ne3A_44 : i32
    %and3A = arith.andi %ne3A, %ne3A_45 : i1
    %sub3A_46 = arith.constant 1 : i32
    %sub3A_47 = arith.subi %div3A, %sub3A_46 : i32
    %select_n3A = arith.select %and3A, %sub3A_47, %div3A : i32
    %while3A = arith.constant 0 : i32
    %while3A_48 = arith.constant 0 : i32
    %while3A_49 = arith.subi %select_n3A, %while3A : i32
    %while3A_50 = arith.addi %while3A, %while3A_49 : i32
    %while3A_51 = arith.constant 1 : i32
    %while3A_52 = arith.divsi %while3A_49, %while3A_51 : i32
    %while3A_53 = arith.muli %while3A_52, %while3A_51 : i32
    %while3A_54 = arith.addi %while3A, %while3A_53 : i32
    %while3A_55 = arith.constant 1 : i32
    %while3A_56 = scf.for %while3A_59 = %while3A to %while3A_54 step %while3A_55 iter_args(%while3A_60 = %while3A_48) -> (i32)  : i32 {
      %scan3A_61 = arith.constant 0 : i32
      %scan3A_62 = arith.constant 0 : i32
      %scan3A_63 = arith.constant 256 : i32
      %scan3A_64 = arith.addi %scan3A_62, %scan3A_63 : i32
      %scan3A_65 = arith.constant 1 : i32
      %scan3A_66 = scf.for %scan3A_97 = %scan3A_62 to %scan3A_64 step %scan3A_65 iter_args(%scan3A_98 = %scan3A_61) -> (i32)  : i32 {
        %mul3A_99 = arith.constant 128 : i32
        %mul3A_100 = arith.muli %while3A_59, %mul3A_99 : i32
        %shift_right_arithmetic3A = arith.constant 1 : i32
        %shift_right_arithmetic3A_101 = arith.shrsi %scan3A_97, %shift_right_arithmetic3A : i32
        %add3A_102 = arith.addi %mul3A_100, %shift_right_arithmetic3A_101 : i32
        %broadcast_in_dim3A = vector.broadcast %add3A_102 : i32 to vector<16xi32>
        %lt3A = vector.broadcast %scan3A_26 : i32 to vector<16xi32>
        %lt3A_103 = arith.cmpi slt, %broadcast_in_dim3A, %lt3A : vector<16xi32>
        %jit3A_104 = arith.constant 0 : i32
        %broadcast_in_dim3A_105 = vector.broadcast %jit3A_104 : i32 to vector<16xi32>
        %select_n3A_106 = arith.select %lt3A_103, %broadcast_in_dim3A, %broadcast_in_dim3A_105 : vector<16xi1>, vector<16xi32>
        %gather3A = tpu.vector_load_idx %arg9[%select_n3A_106] : memref<27664xi32, #tpu.memory_space<vmem>>[vector<16xi32>], vector<16xi32>,
        %shift_right_arithmetic3A_107 = arith.constant 16 : i32
        %shift_right_arithmetic3A_108 = vector.broadcast %shift_right_arithmetic3A_107 : i32 to vector<16xi32>
        %shift_right_arithmetic3A_109 = arith.shrsi %gather3A, %shift_right_arithmetic3A_108 : vector<16xi32>
        %shift_left3A = arith.constant 5 : i32
        %shift_left3A_110 = vector.broadcast %shift_left3A : i32 to vector<16xi32>
        %shift_left3A_111 = arith.shli %shift_right_arithmetic3A_109, %shift_left3A_110 : vector<16xi32>
        %add3A_112 = vector.broadcast %add3A : i32 to vector<16xi32>
        %add3A_113 = arith.addi %shift_left3A_111, %add3A_112 : vector<16xi32>
        %ge3A = arith.constant 442368 : i32
        %ge3A_114 = vector.broadcast %ge3A : i32 to vector<16xi32>
        %ge3A_115 = arith.cmpi sge, %add3A_113, %ge3A_114 : vector<16xi32>
        %jit3A_116 = arith.constant 1 : i32
        %jit3A_117 = arith.constant 0 : i32
        %broadcast_in_dim3A_118 = vector.broadcast %jit3A_116 : i32 to vector<16xi32>
        %broadcast_in_dim3A_119 = vector.broadcast %jit3A_117 : i32 to vector<16xi32>
        %select_n3A_120 = arith.select %ge3A_115, %broadcast_in_dim3A_118, %broadcast_in_dim3A_119 : vector<16xi1>, vector<16xi32>
        %and3A_121 = arith.constant 1 : i32
        %and3A_122 = arith.andi %scan3A_97, %and3A_121 : i32
        %mul3A_123 = arith.constant 16 : i32
        %mul3A_124 = arith.muli %and3A_122, %mul3A_123 : i32
        %add3A_125 = vector.broadcast %mul3A_124 : i32 to vector<16xi32>
        %add3A_126 = arith.addi %add3A_125, %iota3A : vector<16xi32>
        %mul3A_127 = arith.constant 13713408 : i32
        %mul3A_128 = vector.broadcast %mul3A_127 : i32 to vector<16xi32>
        %mul3A_129 = arith.muli %select_n3A_120, %mul3A_128 : vector<16xi32>
        %add3A_130 = arith.addi %add3A_113, %mul3A_129 : vector<16xi32>
        %mul3A_131 = arith.constant 442368 : i32
        %mul3A_132 = vector.broadcast %mul3A_131 : i32 to vector<16xi32>
        %mul3A_133 = arith.muli %add3A_126, %mul3A_132 : vector<16xi32>
        %add3A_134 = arith.addi %add3A_130, %mul3A_133 : vector<16xi32>
        %jit3A_135 = arith.constant -1 : i32
        %broadcast_in_dim3A_136 = vector.broadcast %jit3A_135 : i32 to vector<16xi32>
        %select_n3A_137 = arith.select %lt3A_103, %add3A_134, %broadcast_in_dim3A_136 : vector<16xi1>, vector<16xi32>
        %mul3A_138 = arith.constant 16 : i32
        %mul3A_139 = arith.muli %scan3A_97, %mul3A_138 : i32
        %swap3A = arith.index_cast %mul3A_139 : i32 to index
        %swap3A_140 = tpu.vector_load %arg13[%swap3A] {strides = array<i32>} : memref<4096xi32, #tpu.memory_space<vmem>>, vector<16xi32>,
        tpu.vector_store %arg13[%swap3A], %select_n3A_137 {strides = array<i32>} : memref<4096xi32, #tpu.memory_space<vmem>>, vector<16xi32>,
        %scan3A_141 = arith.constant 0 : i32
        scf.yield %scan3A_141 : i32
      }
      %scan3A_67 = arith.constant 256 : i32
      %scan3A_68 = arith.constant 0 : i32
      %scan3A_69 = arith.constant 0 : i32
      %scan3A_70 = arith.constant 8 : i32
      %scan3A_71 = arith.addi %scan3A_69, %scan3A_70 : i32
      %scan3A_72 = arith.constant 1 : i32
      %scan3A_73 = scf.for %scan3A_97 = %scan3A_69 to %scan3A_71 step %scan3A_72 iter_args(%scan3A_98 = %scan3A_68) -> (i32)  : i32 {
        %mul3A_99 = arith.constant 128 : i32
        %mul3A_100 = arith.muli %while3A_59, %mul3A_99 : i32
        %mul3A_101 = arith.constant 16 : i32
        %mul3A_102 = arith.muli %scan3A_97, %mul3A_101 : i32
        %add3A_103 = arith.addi %mul3A_100, %mul3A_102 : i32
        %add3A_104 = vector.broadcast %add3A_103 : i32 to vector<16xi32>
        %add3A_105 = arith.addi %add3A_104, %iota3A : vector<16xi32>
        %lt3A = vector.broadcast %scan3A_26 : i32 to vector<16xi32>
        %lt3A_106 = arith.cmpi slt, %add3A_105, %lt3A : vector<16xi32>
        %jit3A_107 = arith.constant 0 : i32
        %broadcast_in_dim3A = vector.broadcast %jit3A_107 : i32 to vector<16xi32>
        %select_n3A_108 = arith.select %lt3A_106, %add3A_105, %broadcast_in_dim3A : vector<16xi1>, vector<16xi32>
        %gather3A = tpu.vector_load_idx %arg9[%select_n3A_108] : memref<27664xi32, #tpu.memory_space<vmem>>[vector<16xi32>], vector<16xi32>,
        %shift_right_arithmetic3A = arith.constant 16 : i32
        %shift_right_arithmetic3A_109 = vector.broadcast %shift_right_arithmetic3A : i32 to vector<16xi32>
        %shift_right_arithmetic3A_110 = arith.shrsi %gather3A, %shift_right_arithmetic3A_109 : vector<16xi32>
        %shift_left3A = arith.constant 5 : i32
        %shift_left3A_111 = vector.broadcast %shift_left3A : i32 to vector<16xi32>
        %shift_left3A_112 = arith.shli %shift_right_arithmetic3A_110, %shift_left3A_111 : vector<16xi32>
        %add3A_113 = vector.broadcast %add3A : i32 to vector<16xi32>
        %add3A_114 = arith.addi %shift_left3A_112, %add3A_113 : vector<16xi32>
        %and3A_115 = arith.constant 65535 : i32
        %and3A_116 = vector.broadcast %and3A_115 : i32 to vector<16xi32>
        %and3A_117 = arith.andi %gather3A, %and3A_116 : vector<16xi32>
        %sub3A_118 = arith.constant 1 : i32
        %sub3A_119 = vector.broadcast %sub3A_118 : i32 to vector<16xi32>
        %sub3A_120 = arith.subi %and3A_117, %sub3A_119 : vector<16xi32>
        %jit3A_121 = arith.constant 0 : i32
        %broadcast_in_dim3A_122 = vector.broadcast %jit3A_121 : i32 to vector<16xi32>
        %select_n3A_123 = arith.select %lt3A_106, %sub3A_120, %broadcast_in_dim3A_122 : vector<16xi1>, vector<16xi32>
        %shift_right_arithmetic3A_124 = arith.constant 2 : i32
        %shift_right_arithmetic3A_125 = vector.broadcast %shift_right_arithmetic3A_124 : i32 to vector<16xi32>
        %shift_right_arithmetic3A_126 = arith.shrsi %select_n3A_123, %shift_right_arithmetic3A_125 : vector<16xi32>
        %mul3A_127 = arith.constant 16 : i32
        %mul3A_128 = arith.muli %scan3A_97, %mul3A_127 : i32
        %swap3A = arith.index_cast %mul3A_128 : i32 to index
        %swap3A_129 = tpu.vector_load %arg11[%swap3A] {strides = array<i32>} : memref<128xi32, #tpu.memory_space<vmem>>, vector<16xi32>,
        tpu.vector_store %arg11[%swap3A], %shift_right_arithmetic3A_126 {strides = array<i32>} : memref<128xi32, #tpu.memory_space<vmem>>, vector<16xi32>,
        %and3A_130 = arith.constant 3 : i32
        %and3A_131 = vector.broadcast %and3A_130 : i32 to vector<16xi32>
        %and3A_132 = arith.andi %select_n3A_123, %and3A_131 : vector<16xi32>
        %mul3A_133 = arith.constant 32 : i32
        %mul3A_134 = vector.broadcast %mul3A_133 : i32 to vector<16xi32>
        %mul3A_135 = arith.muli %and3A_132, %mul3A_134 : vector<16xi32>
        %mul3A_136 = arith.constant 16 : i32
        %mul3A_137 = arith.muli %scan3A_97, %mul3A_136 : i32
        %swap3A_138 = arith.index_cast %mul3A_137 : i32 to index
        %swap3A_139 = tpu.vector_load %arg12[%swap3A_138] {strides = array<i32>} : memref<128xi32, #tpu.memory_space<vmem>>, vector<16xi32>,
        tpu.vector_store %arg12[%swap3A_138], %mul3A_135 {strides = array<i32>} : memref<128xi32, #tpu.memory_space<vmem>>, vector<16xi32>,
        %jit3A_140 = arith.constant -1 : i32
        %broadcast_in_dim3A_141 = vector.broadcast %jit3A_140 : i32 to vector<16xi32>
        %select_n3A_142 = arith.select %lt3A_106, %add3A_114, %broadcast_in_dim3A_141 : vector<16xi1>, vector<16xi32>
        %mul3A_143 = arith.constant 16 : i32
        %mul3A_144 = arith.muli %scan3A_97, %mul3A_143 : i32
        %swap3A_145 = arith.index_cast %mul3A_144 : i32 to index
        %swap3A_146 = tpu.vector_load %arg16[%swap3A_145] {strides = array<i32>} : memref<128xi32, #tpu.memory_space<vmem>>, vector<16xi32>,
        tpu.vector_store %arg16[%swap3A_145], %select_n3A_142 {strides = array<i32>} : memref<128xi32, #tpu.memory_space<vmem>>, vector<16xi32>,
        %scan3A_147 = arith.constant 0 : i32
        scf.yield %scan3A_147 : i32
      }
      %scan3A_74 = arith.constant 8 : i32
      %dma_start3A = arith.constant 0 : i32
      %dma_start3A_75 = arith.constant 0 : i32
      %dma_start3A_76 = tpu.memref_slice %arg3[%dma_start3A, %dma_start3A_75] : memref<9600x128xf32, #tpu.memory_space<hbm>> -> memref<9600x128xf32, #tpu.memory_space<hbm>>
      tpu.enqueue_indirect_dma source(%dma_start3A_76 : memref<9600x128xf32, #tpu.memory_space<hbm>>) target(%arg14 : memref<128x128xf32, #tpu.memory_space<vmem>>) offsets(%arg11 : memref<128xi32, #tpu.memory_space<vmem>>) semaphore(%arg18 : memref<!tpu.dma_semaphore, #tpu.memory_space<semaphore_mem>>)
      %dma_wait3A = arith.constant 0 : i32
      %dma_wait3A_77 = arith.constant 0 : i32
      %dma_wait3A_78 = tpu.memref_slice %arg3[%dma_wait3A, %dma_wait3A_77] : memref<9600x128xf32, #tpu.memory_space<hbm>> -> memref<9600x128xf32, #tpu.memory_space<hbm>>
      tpu.wait_indirect_dma semaphore(%arg18 : memref<!tpu.dma_semaphore, #tpu.memory_space<semaphore_mem>>) src(%dma_wait3A_78 : memref<9600x128xf32, #tpu.memory_space<hbm>>) dst(%arg14 : memref<128x128xf32, #tpu.memory_space<vmem>>)
      %scan3A_79 = arith.constant 0 : i32
      %scan3A_80 = arith.constant 0 : i32
      %scan3A_81 = arith.constant 256 : i32
      %scan3A_82 = arith.addi %scan3A_80, %scan3A_81 : i32
      %scan3A_83 = arith.constant 1 : i32
      %scan3A_84 = scf.for %scan3A_97 = %scan3A_80 to %scan3A_82 step %scan3A_83 iter_args(%scan3A_98 = %scan3A_79) -> (i32)  : i32 {
        %shift_right_arithmetic3A = arith.constant 1 : i32
        %shift_right_arithmetic3A_99 = arith.shrsi %scan3A_97, %shift_right_arithmetic3A : i32
        %broadcast_in_dim3A = vector.broadcast %shift_right_arithmetic3A_99 : i32 to vector<16xi32>
        %gather3A = tpu.vector_load_idx %arg12[%broadcast_in_dim3A] : memref<128xi32, #tpu.memory_space<vmem>>[vector<16xi32>], vector<16xi32>,
        %and3A_100 = arith.constant 1 : i32
        %and3A_101 = arith.andi %scan3A_97, %and3A_100 : i32
        %mul3A_102 = arith.constant 16 : i32
        %mul3A_103 = arith.muli %and3A_101, %mul3A_102 : i32
        %add3A_104 = vector.broadcast %mul3A_103 : i32 to vector<16xi32>
        %add3A_105 = arith.addi %add3A_104, %iota3A : vector<16xi32>
        %add3A_106 = arith.addi %gather3A, %add3A_105 : vector<16xi32>
        %gather3A_107 = tpu.vector_load_idx %arg14[%broadcast_in_dim3A, %add3A_106] : memref<128x128xf32, #tpu.memory_space<vmem>>[vector<16xi32>, vector<16xi32>], vector<16xf32>,
        %mul3A_108 = arith.constant 16 : i32
        %mul3A_109 = arith.muli %scan3A_97, %mul3A_108 : i32
        %swap3A = arith.index_cast %mul3A_109 : i32 to index
        %swap3A_110 = tpu.vector_load %arg15[%swap3A] {strides = array<i32>} : memref<4096xf32, #tpu.memory_space<vmem>>, vector<16xf32>,
        tpu.vector_store %arg15[%swap3A], %gather3A_107 {strides = array<i32>} : memref<4096xf32, #tpu.memory_space<vmem>>, vector<16xf32>,
        %scan3A_111 = arith.constant 0 : i32
        scf.yield %scan3A_111 : i32
      }
      %scan3A_85 = arith.constant 256 : i32
      %dma_start3A_86 = arith.constant 0 : i32
      %dma_start3A_87 = tpu.memref_slice %arg4[%dma_start3A_86] : memref<28311552xf32, #tpu.memory_space<hbm>> -> memref<28311552xf32, #tpu.memory_space<hbm>>
      %dma_start3A_88 = arith.constant -1 : i32
      tpu.enqueue_indirect_dma source(%arg15 : memref<4096xf32, #tpu.memory_space<vmem>>) target(%dma_start3A_87 : memref<28311552xf32, #tpu.memory_space<hbm>>) offsets(%arg13 : memref<4096xi32, #tpu.memory_space<vmem>>) offset_filter(%dma_start3A_88) semaphore(%arg19 : memref<!tpu.dma_semaphore, #tpu.memory_space<semaphore_mem>>)
      %dma_wait3A_89 = arith.constant 0 : i32
      %dma_wait3A_90 = tpu.memref_slice %arg4[%dma_wait3A_89] : memref<28311552xf32, #tpu.memory_space<hbm>> -> memref<28311552xf32, #tpu.memory_space<hbm>>
      tpu.wait_indirect_dma semaphore(%arg19 : memref<!tpu.dma_semaphore, #tpu.memory_space<semaphore_mem>>) src(%arg15 : memref<4096xf32, #tpu.memory_space<vmem>>) dst(%dma_wait3A_90 : memref<28311552xf32, #tpu.memory_space<hbm>>)
      %dma_start3A_91 = arith.constant 0 : i32
      %dma_start3A_92 = tpu.memref_slice %arg5[%dma_start3A_91] : memref<884736xf32, #tpu.memory_space<hbm>> -> memref<884736xf32, #tpu.memory_space<hbm>>
      %dma_start3A_93 = arith.constant -1 : i32
      tpu.enqueue_indirect_dma source(%arg17 : memref<128xf32, #tpu.memory_space<vmem>>) target(%dma_start3A_92 : memref<884736xf32, #tpu.memory_space<hbm>>) offsets(%arg16 : memref<128xi32, #tpu.memory_space<vmem>>) offset_filter(%dma_start3A_93) semaphore(%arg19 : memref<!tpu.dma_semaphore, #tpu.memory_space<semaphore_mem>>)
      %dma_wait3A_94 = arith.constant 0 : i32
      %dma_wait3A_95 = tpu.memref_slice %arg5[%dma_wait3A_94] : memref<884736xf32, #tpu.memory_space<hbm>> -> memref<884736xf32, #tpu.memory_space<hbm>>
      tpu.wait_indirect_dma semaphore(%arg19 : memref<!tpu.dma_semaphore, #tpu.memory_space<semaphore_mem>>) src(%arg17 : memref<128xf32, #tpu.memory_space<vmem>>) dst(%dma_wait3A_95 : memref<884736xf32, #tpu.memory_space<hbm>>)
      %while3A_96 = arith.constant 0 : i32
      scf.yield %while3A_96 : i32
    }
    %while3A_57 = arith.constant 1 : i32
    %while3A_58 = scf.for %while3A_59 = %while3A_54 to %while3A_50 step %while3A_57 iter_args(%while3A_60 = %while3A_56) -> (i32)  : i32 {
      %scan3A_61 = arith.constant 0 : i32
      %scan3A_62 = arith.constant 0 : i32
      %scan3A_63 = arith.constant 256 : i32
      %scan3A_64 = arith.addi %scan3A_62, %scan3A_63 : i32
      %scan3A_65 = arith.constant 1 : i32
      %scan3A_66 = scf.for %scan3A_97 = %scan3A_62 to %scan3A_64 step %scan3A_65 iter_args(%scan3A_98 = %scan3A_61) -> (i32)  : i32 {
        %mul3A_99 = arith.constant 128 : i32
        %mul3A_100 = arith.muli %while3A_59, %mul3A_99 : i32
        %shift_right_arithmetic3A = arith.constant 1 : i32
        %shift_right_arithmetic3A_101 = arith.shrsi %scan3A_97, %shift_right_arithmetic3A : i32
        %add3A_102 = arith.addi %mul3A_100, %shift_right_arithmetic3A_101 : i32
        %broadcast_in_dim3A = vector.broadcast %add3A_102 : i32 to vector<16xi32>
        %lt3A = vector.broadcast %scan3A_26 : i32 to vector<16xi32>
        %lt3A_103 = arith.cmpi slt, %broadcast_in_dim3A, %lt3A : vector<16xi32>
        %jit3A_104 = arith.constant 0 : i32
        %broadcast_in_dim3A_105 = vector.broadcast %jit3A_104 : i32 to vector<16xi32>
        %select_n3A_106 = arith.select %lt3A_103, %broadcast_in_dim3A, %broadcast_in_dim3A_105 : vector<16xi1>, vector<16xi32>
        %gather3A = tpu.vector_load_idx %arg9[%select_n3A_106] : memref<27664xi32, #tpu.memory_space<vmem>>[vector<16xi32>], vector<16xi32>,
        %shift_right_arithmetic3A_107 = arith.constant 16 : i32
        %shift_right_arithmetic3A_108 = vector.broadcast %shift_right_arithmetic3A_107 : i32 to vector<16xi32>
        %shift_right_arithmetic3A_109 = arith.shrsi %gather3A, %shift_right_arithmetic3A_108 : vector<16xi32>
        %shift_left3A = arith.constant 5 : i32
        %shift_left3A_110 = vector.broadcast %shift_left3A : i32 to vector<16xi32>
        %shift_left3A_111 = arith.shli %shift_right_arithmetic3A_109, %shift_left3A_110 : vector<16xi32>
        %add3A_112 = vector.broadcast %add3A : i32 to vector<16xi32>
        %add3A_113 = arith.addi %shift_left3A_111, %add3A_112 : vector<16xi32>
        %ge3A = arith.constant 442368 : i32
        %ge3A_114 = vector.broadcast %ge3A : i32 to vector<16xi32>
        %ge3A_115 = arith.cmpi sge, %add3A_113, %ge3A_114 : vector<16xi32>
        %jit3A_116 = arith.constant 1 : i32
        %jit3A_117 = arith.constant 0 : i32
        %broadcast_in_dim3A_118 = vector.broadcast %jit3A_116 : i32 to vector<16xi32>
        %broadcast_in_dim3A_119 = vector.broadcast %jit3A_117 : i32 to vector<16xi32>
        %select_n3A_120 = arith.select %ge3A_115, %broadcast_in_dim3A_118, %broadcast_in_dim3A_119 : vector<16xi1>, vector<16xi32>
        %and3A_121 = arith.constant 1 : i32
        %and3A_122 = arith.andi %scan3A_97, %and3A_121 : i32
        %mul3A_123 = arith.constant 16 : i32
        %mul3A_124 = arith.muli %and3A_122, %mul3A_123 : i32
        %add3A_125 = vector.broadcast %mul3A_124 : i32 to vector<16xi32>
        %add3A_126 = arith.addi %add3A_125, %iota3A : vector<16xi32>
        %mul3A_127 = arith.constant 13713408 : i32
        %mul3A_128 = vector.broadcast %mul3A_127 : i32 to vector<16xi32>
        %mul3A_129 = arith.muli %select_n3A_120, %mul3A_128 : vector<16xi32>
        %add3A_130 = arith.addi %add3A_113, %mul3A_129 : vector<16xi32>
        %mul3A_131 = arith.constant 442368 : i32
        %mul3A_132 = vector.broadcast %mul3A_131 : i32 to vector<16xi32>
        %mul3A_133 = arith.muli %add3A_126, %mul3A_132 : vector<16xi32>
        %add3A_134 = arith.addi %add3A_130, %mul3A_133 : vector<16xi32>
        %jit3A_135 = arith.constant -1 : i32
        %broadcast_in_dim3A_136 = vector.broadcast %jit3A_135 : i32 to vector<16xi32>
        %select_n3A_137 = arith.select %lt3A_103, %add3A_134, %broadcast_in_dim3A_136 : vector<16xi1>, vector<16xi32>
        %mul3A_138 = arith.constant 16 : i32
        %mul3A_139 = arith.muli %scan3A_97, %mul3A_138 : i32
        %swap3A = arith.index_cast %mul3A_139 : i32 to index
        %swap3A_140 = tpu.vector_load %arg13[%swap3A] {strides = array<i32>} : memref<4096xi32, #tpu.memory_space<vmem>>, vector<16xi32>,
        tpu.vector_store %arg13[%swap3A], %select_n3A_137 {strides = array<i32>} : memref<4096xi32, #tpu.memory_space<vmem>>, vector<16xi32>,
        %scan3A_141 = arith.constant 0 : i32
        scf.yield %scan3A_141 : i32
      }
      %scan3A_67 = arith.constant 256 : i32
      %scan3A_68 = arith.constant 0 : i32
      %scan3A_69 = arith.constant 0 : i32
      %scan3A_70 = arith.constant 8 : i32
      %scan3A_71 = arith.addi %scan3A_69, %scan3A_70 : i32
      %scan3A_72 = arith.constant 1 : i32
      %scan3A_73 = scf.for %scan3A_97 = %scan3A_69 to %scan3A_71 step %scan3A_72 iter_args(%scan3A_98 = %scan3A_68) -> (i32)  : i32 {
        %mul3A_99 = arith.constant 128 : i32
        %mul3A_100 = arith.muli %while3A_59, %mul3A_99 : i32
        %mul3A_101 = arith.constant 16 : i32
        %mul3A_102 = arith.muli %scan3A_97, %mul3A_101 : i32
        %add3A_103 = arith.addi %mul3A_100, %mul3A_102 : i32
        %add3A_104 = vector.broadcast %add3A_103 : i32 to vector<16xi32>
        %add3A_105 = arith.addi %add3A_104, %iota3A : vector<16xi32>
        %lt3A = vector.broadcast %scan3A_26 : i32 to vector<16xi32>
        %lt3A_106 = arith.cmpi slt, %add3A_105, %lt3A : vector<16xi32>
        %jit3A_107 = arith.constant 0 : i32
        %broadcast_in_dim3A = vector.broadcast %jit3A_107 : i32 to vector<16xi32>
        %select_n3A_108 = arith.select %lt3A_106, %add3A_105, %broadcast_in_dim3A : vector<16xi1>, vector<16xi32>
        %gather3A = tpu.vector_load_idx %arg9[%select_n3A_108] : memref<27664xi32, #tpu.memory_space<vmem>>[vector<16xi32>], vector<16xi32>,
        %shift_right_arithmetic3A = arith.constant 16 : i32
        %shift_right_arithmetic3A_109 = vector.broadcast %shift_right_arithmetic3A : i32 to vector<16xi32>
        %shift_right_arithmetic3A_110 = arith.shrsi %gather3A, %shift_right_arithmetic3A_109 : vector<16xi32>
        %shift_left3A = arith.constant 5 : i32
        %shift_left3A_111 = vector.broadcast %shift_left3A : i32 to vector<16xi32>
        %shift_left3A_112 = arith.shli %shift_right_arithmetic3A_110, %shift_left3A_111 : vector<16xi32>
        %add3A_113 = vector.broadcast %add3A : i32 to vector<16xi32>
        %add3A_114 = arith.addi %shift_left3A_112, %add3A_113 : vector<16xi32>
        %and3A_115 = arith.constant 65535 : i32
        %and3A_116 = vector.broadcast %and3A_115 : i32 to vector<16xi32>
        %and3A_117 = arith.andi %gather3A, %and3A_116 : vector<16xi32>
        %sub3A_118 = arith.constant 1 : i32
        %sub3A_119 = vector.broadcast %sub3A_118 : i32 to vector<16xi32>
        %sub3A_120 = arith.subi %and3A_117, %sub3A_119 : vector<16xi32>
        %jit3A_121 = arith.constant 0 : i32
        %broadcast_in_dim3A_122 = vector.broadcast %jit3A_121 : i32 to vector<16xi32>
        %select_n3A_123 = arith.select %lt3A_106, %sub3A_120, %broadcast_in_dim3A_122 : vector<16xi1>, vector<16xi32>
        %shift_right_arithmetic3A_124 = arith.constant 2 : i32
        %shift_right_arithmetic3A_125 = vector.broadcast %shift_right_arithmetic3A_124 : i32 to vector<16xi32>
        %shift_right_arithmetic3A_126 = arith.shrsi %select_n3A_123, %shift_right_arithmetic3A_125 : vector<16xi32>
        %mul3A_127 = arith.constant 16 : i32
        %mul3A_128 = arith.muli %scan3A_97, %mul3A_127 : i32
        %swap3A = arith.index_cast %mul3A_128 : i32 to index
        %swap3A_129 = tpu.vector_load %arg11[%swap3A] {strides = array<i32>} : memref<128xi32, #tpu.memory_space<vmem>>, vector<16xi32>,
        tpu.vector_store %arg11[%swap3A], %shift_right_arithmetic3A_126 {strides = array<i32>} : memref<128xi32, #tpu.memory_space<vmem>>, vector<16xi32>,
        %and3A_130 = arith.constant 3 : i32
        %and3A_131 = vector.broadcast %and3A_130 : i32 to vector<16xi32>
        %and3A_132 = arith.andi %select_n3A_123, %and3A_131 : vector<16xi32>
        %mul3A_133 = arith.constant 32 : i32
        %mul3A_134 = vector.broadcast %mul3A_133 : i32 to vector<16xi32>
        %mul3A_135 = arith.muli %and3A_132, %mul3A_134 : vector<16xi32>
        %mul3A_136 = arith.constant 16 : i32
        %mul3A_137 = arith.muli %scan3A_97, %mul3A_136 : i32
        %swap3A_138 = arith.index_cast %mul3A_137 : i32 to index
        %swap3A_139 = tpu.vector_load %arg12[%swap3A_138] {strides = array<i32>} : memref<128xi32, #tpu.memory_space<vmem>>, vector<16xi32>,
        tpu.vector_store %arg12[%swap3A_138], %mul3A_135 {strides = array<i32>} : memref<128xi32, #tpu.memory_space<vmem>>, vector<16xi32>,
        %jit3A_140 = arith.constant -1 : i32
        %broadcast_in_dim3A_141 = vector.broadcast %jit3A_140 : i32 to vector<16xi32>
        %select_n3A_142 = arith.select %lt3A_106, %add3A_114, %broadcast_in_dim3A_141 : vector<16xi1>, vector<16xi32>
        %mul3A_143 = arith.constant 16 : i32
        %mul3A_144 = arith.muli %scan3A_97, %mul3A_143 : i32
        %swap3A_145 = arith.index_cast %mul3A_144 : i32 to index
        %swap3A_146 = tpu.vector_load %arg16[%swap3A_145] {strides = array<i32>} : memref<128xi32, #tpu.memory_space<vmem>>, vector<16xi32>,
        tpu.vector_store %arg16[%swap3A_145], %select_n3A_142 {strides = array<i32>} : memref<128xi32, #tpu.memory_space<vmem>>, vector<16xi32>,
        %scan3A_147 = arith.constant 0 : i32
        scf.yield %scan3A_147 : i32
      }
      %scan3A_74 = arith.constant 8 : i32
      %dma_start3A = arith.constant 0 : i32
      %dma_start3A_75 = arith.constant 0 : i32
      %dma_start3A_76 = tpu.memref_slice %arg3[%dma_start3A, %dma_start3A_75] : memref<9600x128xf32, #tpu.memory_space<hbm>> -> memref<9600x128xf32, #tpu.memory_space<hbm>>
      tpu.enqueue_indirect_dma source(%dma_start3A_76 : memref<9600x128xf32, #tpu.memory_space<hbm>>) target(%arg14 : memref<128x128xf32, #tpu.memory_space<vmem>>) offsets(%arg11 : memref<128xi32, #tpu.memory_space<vmem>>) semaphore(%arg18 : memref<!tpu.dma_semaphore, #tpu.memory_space<semaphore_mem>>)
      %dma_wait3A = arith.constant 0 : i32
      %dma_wait3A_77 = arith.constant 0 : i32
      %dma_wait3A_78 = tpu.memref_slice %arg3[%dma_wait3A, %dma_wait3A_77] : memref<9600x128xf32, #tpu.memory_space<hbm>> -> memref<9600x128xf32, #tpu.memory_space<hbm>>
      tpu.wait_indirect_dma semaphore(%arg18 : memref<!tpu.dma_semaphore, #tpu.memory_space<semaphore_mem>>) src(%dma_wait3A_78 : memref<9600x128xf32, #tpu.memory_space<hbm>>) dst(%arg14 : memref<128x128xf32, #tpu.memory_space<vmem>>)
      %scan3A_79 = arith.constant 0 : i32
      %scan3A_80 = arith.constant 0 : i32
      %scan3A_81 = arith.constant 256 : i32
      %scan3A_82 = arith.addi %scan3A_80, %scan3A_81 : i32
      %scan3A_83 = arith.constant 1 : i32
      %scan3A_84 = scf.for %scan3A_97 = %scan3A_80 to %scan3A_82 step %scan3A_83 iter_args(%scan3A_98 = %scan3A_79) -> (i32)  : i32 {
        %shift_right_arithmetic3A = arith.constant 1 : i32
        %shift_right_arithmetic3A_99 = arith.shrsi %scan3A_97, %shift_right_arithmetic3A : i32
        %broadcast_in_dim3A = vector.broadcast %shift_right_arithmetic3A_99 : i32 to vector<16xi32>
        %gather3A = tpu.vector_load_idx %arg12[%broadcast_in_dim3A] : memref<128xi32, #tpu.memory_space<vmem>>[vector<16xi32>], vector<16xi32>,
        %and3A_100 = arith.constant 1 : i32
        %and3A_101 = arith.andi %scan3A_97, %and3A_100 : i32
        %mul3A_102 = arith.constant 16 : i32
        %mul3A_103 = arith.muli %and3A_101, %mul3A_102 : i32
        %add3A_104 = vector.broadcast %mul3A_103 : i32 to vector<16xi32>
        %add3A_105 = arith.addi %add3A_104, %iota3A : vector<16xi32>
        %add3A_106 = arith.addi %gather3A, %add3A_105 : vector<16xi32>
        %gather3A_107 = tpu.vector_load_idx %arg14[%broadcast_in_dim3A, %add3A_106] : memref<128x128xf32, #tpu.memory_space<vmem>>[vector<16xi32>, vector<16xi32>], vector<16xf32>,
        %mul3A_108 = arith.constant 16 : i32
        %mul3A_109 = arith.muli %scan3A_97, %mul3A_108 : i32
        %swap3A = arith.index_cast %mul3A_109 : i32 to index
        %swap3A_110 = tpu.vector_load %arg15[%swap3A] {strides = array<i32>} : memref<4096xf32, #tpu.memory_space<vmem>>, vector<16xf32>,
        tpu.vector_store %arg15[%swap3A], %gather3A_107 {strides = array<i32>} : memref<4096xf32, #tpu.memory_space<vmem>>, vector<16xf32>,
        %scan3A_111 = arith.constant 0 : i32
        scf.yield %scan3A_111 : i32
      }
      %scan3A_85 = arith.constant 256 : i32
      %dma_start3A_86 = arith.constant 0 : i32
      %dma_start3A_87 = tpu.memref_slice %arg4[%dma_start3A_86] : memref<28311552xf32, #tpu.memory_space<hbm>> -> memref<28311552xf32, #tpu.memory_space<hbm>>
      %dma_start3A_88 = arith.constant -1 : i32
      tpu.enqueue_indirect_dma source(%arg15 : memref<4096xf32, #tpu.memory_space<vmem>>) target(%dma_start3A_87 : memref<28311552xf32, #tpu.memory_space<hbm>>) offsets(%arg13 : memref<4096xi32, #tpu.memory_space<vmem>>) offset_filter(%dma_start3A_88) semaphore(%arg19 : memref<!tpu.dma_semaphore, #tpu.memory_space<semaphore_mem>>)
      %dma_wait3A_89 = arith.constant 0 : i32
      %dma_wait3A_90 = tpu.memref_slice %arg4[%dma_wait3A_89] : memref<28311552xf32, #tpu.memory_space<hbm>> -> memref<28311552xf32, #tpu.memory_space<hbm>>
      tpu.wait_indirect_dma semaphore(%arg19 : memref<!tpu.dma_semaphore, #tpu.memory_space<semaphore_mem>>) src(%arg15 : memref<4096xf32, #tpu.memory_space<vmem>>) dst(%dma_wait3A_90 : memref<28311552xf32, #tpu.memory_space<hbm>>)
      %dma_start3A_91 = arith.constant 0 : i32
      %dma_start3A_92 = tpu.memref_slice %arg5[%dma_start3A_91] : memref<884736xf32, #tpu.memory_space<hbm>> -> memref<884736xf32, #tpu.memory_space<hbm>>
      %dma_start3A_93 = arith.constant -1 : i32
      tpu.enqueue_indirect_dma source(%arg17 : memref<128xf32, #tpu.memory_space<vmem>>) target(%dma_start3A_92 : memref<884736xf32, #tpu.memory_space<hbm>>) offsets(%arg16 : memref<128xi32, #tpu.memory_space<vmem>>) offset_filter(%dma_start3A_93) semaphore(%arg19 : memref<!tpu.dma_semaphore, #tpu.memory_space<semaphore_mem>>)
      %dma_wait3A_94 = arith.constant 0 : i32
      %dma_wait3A_95 = tpu.memref_slice %arg5[%dma_wait3A_94] : memref<884736xf32, #tpu.memory_space<hbm>> -> memref<884736xf32, #tpu.memory_space<hbm>>
      tpu.wait_indirect_dma semaphore(%arg19 : memref<!tpu.dma_semaphore, #tpu.memory_space<semaphore_mem>>) src(%arg17 : memref<128xf32, #tpu.memory_space<vmem>>) dst(%dma_wait3A_95 : memref<884736xf32, #tpu.memory_space<hbm>>)
      %while3A_96 = arith.constant 0 : i32
      scf.yield %while3A_96 : i32
    }
    return
  }
}

module attributes {stable_mosaic.version = 14 : i64} {
  func.func @_zero_body(%arg0: i32, %arg1: memref<864x1024xf32, #tpu.memory_space<vmem>>) attributes {dimension_semantics = [#tpu.dimension_semantics<arbitrary>], iteration_bounds = array<i64: 1>, scalar_prefetch = 0 : i64, scratch_operands = 0 : i64, tpu.core_type = #tpu.core_type<tc>, window_params = [{transform_indices = @transform_0, window_bounds = array<i64: 864, 1024>}]} {
    %broadcast_in_dim3A = arith.constant 0.000000e+00 : f32
    %broadcast_in_dim3A_0 = vector.broadcast %broadcast_in_dim3A : f32 to vector<864x1024xf32>
    %swap3A = arith.constant 0 : index
    %swap3A_1 = arith.constant 0 : index
    %swap3A_2 = vector.load %arg1[%swap3A, %swap3A_1] : memref<864x1024xf32, #tpu.memory_space<vmem>>, vector<864x1024xf32>
    tpu.vector_store %arg1[%swap3A, %swap3A_1], %broadcast_in_dim3A_0 {strides = array<i32>} : memref<864x1024xf32, #tpu.memory_space<vmem>>, vector<864x1024xf32>,
    return
  }
  func.func @transform_0(%arg0: i32) -> (i32, i32) {
    %c0_i32 = arith.constant 0 : i32
    %c0_i32_0 = arith.constant 0 : i32
    return %arg0, %c0_i32 : i32, i32
  }
}

module attributes {stable_mosaic.version = 14 : i64} {
  func.func @_zero_body(%arg0: i32, %arg1: memref<864x1024xf32, #tpu.memory_space<vmem>>) attributes {dimension_semantics = [#tpu.dimension_semantics<arbitrary>], iteration_bounds = array<i64: 32>, scalar_prefetch = 0 : i64, scratch_operands = 0 : i64, tpu.core_type = #tpu.core_type<tc>, window_params = [{transform_indices = @transform_0, window_bounds = array<i64: 864, 1024>}]} {
    %broadcast_in_dim3A = arith.constant 0.000000e+00 : f32
    %broadcast_in_dim3A_0 = vector.broadcast %broadcast_in_dim3A : f32 to vector<864x1024xf32>
    %swap3A = arith.constant 0 : index
    %swap3A_1 = arith.constant 0 : index
    %swap3A_2 = vector.load %arg1[%swap3A, %swap3A_1] : memref<864x1024xf32, #tpu.memory_space<vmem>>, vector<864x1024xf32>
    tpu.vector_store %arg1[%swap3A, %swap3A_1], %broadcast_in_dim3A_0 {strides = array<i32>} : memref<864x1024xf32, #tpu.memory_space<vmem>>, vector<864x1024xf32>,
    return
  }
  func.func @transform_0(%arg0: i32) -> (i32, i32) {
    %c0_i32 = arith.constant 0 : i32
    %c0_i32_0 = arith.constant 0 : i32
    return %arg0, %c0_i32 : i32, i32
  }
}

module attributes {stable_mosaic.version = 14 : i64} {
  func.func @_prep_body(%arg0: memref<2x19200xf32, #tpu.memory_space<vmem>>, %arg1: memref<2x128xf32, #tpu.memory_space<vmem>>, %arg2: memref<2x19200xi32, #tpu.memory_space<vmem>>) attributes {dimension_semantics = [], scalar_prefetch = 0 : i64, scratch_operands = 0 : i64, tpu.core_type = #tpu.core_type<tc>} {
    %get3A = arith.constant 0 : index
    %get3A_0 = arith.constant 0 : index
    %get3A_1 = vector.load %arg0[%get3A, %get3A_0] : memref<2x19200xf32, #tpu.memory_space<vmem>>, vector<2x19200xf32>
    %iota3A = tpu.iota {dimensions = array<i32: 1>} : vector<2x19200xi32>
    %jit3A = arith.constant 160 : i32
    %eq3A = arith.constant 0 : i32
    %eq3A_2 = arith.cmpi eq, %jit3A, %eq3A : i32
    %jit3A_3 = arith.constant 1 : i32
    %select_n3A = arith.select %eq3A_2, %jit3A_3, %jit3A : i32
    %rem3A = vector.broadcast %select_n3A : i32 to vector<2x19200xi32>
    %rem3A_4 = arith.remsi %iota3A, %rem3A : vector<2x19200xi32>
    %ne3A = arith.constant 0 : i32
    %ne3A_5 = vector.broadcast %ne3A : i32 to vector<2x19200xi32>
    %ne3A_6 = arith.cmpi ne, %rem3A_4, %ne3A_5 : vector<2x19200xi32>
    %lt3A = arith.constant 0 : i32
    %lt3A_7 = vector.broadcast %lt3A : i32 to vector<2x19200xi32>
    %lt3A_8 = arith.cmpi slt, %rem3A_4, %lt3A_7 : vector<2x19200xi32>
    %lt3A_9 = arith.constant 0 : i32
    %lt3A_10 = arith.cmpi slt, %select_n3A, %lt3A_9 : i32
    %ne3A_11 = vector.broadcast %lt3A_10 : i1 to vector<2x19200xi1>
    %ne3A_12 = vector.broadcast %ne3A_11 : vector<2x19200xi1> to vector<2x19200xi1>
    %ne3A_13 = arith.xori %lt3A_8, %ne3A_12 : vector<2x19200xi1>
    %and3A = arith.andi %ne3A_13, %ne3A_6 : vector<2x19200xi1>
    %add3A = vector.broadcast %select_n3A : i32 to vector<2x19200xi32>
    %add3A_14 = arith.addi %rem3A_4, %add3A : vector<2x19200xi32>
    %select_n3A_15 = arith.select %and3A, %add3A_14, %rem3A_4 : vector<2x19200xi1>, vector<2x19200xi32>
    %convert_element_type3A = arith.sitofp %select_n3A_15 : vector<2x19200xi32> to vector<2x19200xf32>
    %jit3A_16 = arith.constant 160 : i32
    %div3A = vector.broadcast %jit3A_16 : i32 to vector<2x19200xi32>
    %div3A_17 = arith.divsi %iota3A, %div3A : vector<2x19200xi32>
    %sign3A = arith.constant 0 : i32
    %sign3A_18 = vector.broadcast %sign3A : i32 to vector<2x19200xi32>
    %sign3A_19 = arith.cmpi sgt, %iota3A, %sign3A_18 : vector<2x19200xi32>
    %sign3A_20 = arith.extui %sign3A_19 : vector<2x19200xi1> to vector<2x19200xi32>
    %sign3A_21 = arith.constant 0 : i32
    %sign3A_22 = vector.broadcast %sign3A_21 : i32 to vector<2x19200xi32>
    %sign3A_23 = arith.cmpi slt, %iota3A, %sign3A_22 : vector<2x19200xi32>
    %sign3A_24 = arith.extui %sign3A_23 : vector<2x19200xi1> to vector<2x19200xi32>
    %sign3A_25 = arith.subi %sign3A_20, %sign3A_24 : vector<2x19200xi32>
    %sign3A_26 = arith.constant 0 : i32
    %sign3A_27 = arith.cmpi sgt, %jit3A_16, %sign3A_26 : i32
    %sign3A_28 = arith.extui %sign3A_27 : i1 to i32
    %sign3A_29 = arith.constant 0 : i32
    %sign3A_30 = arith.cmpi slt, %jit3A_16, %sign3A_29 : i32
    %sign3A_31 = arith.extui %sign3A_30 : i1 to i32
    %sign3A_32 = arith.subi %sign3A_28, %sign3A_31 : i32
    %ne3A_33 = vector.broadcast %sign3A_32 : i32 to vector<2x19200xi32>
    %ne3A_34 = arith.cmpi ne, %sign3A_25, %ne3A_33 : vector<2x19200xi32>
    %rem3A_35 = vector.broadcast %jit3A_16 : i32 to vector<2x19200xi32>
    %rem3A_36 = arith.remsi %iota3A, %rem3A_35 : vector<2x19200xi32>
    %ne3A_37 = arith.constant 0 : i32
    %ne3A_38 = vector.broadcast %ne3A_37 : i32 to vector<2x19200xi32>
    %ne3A_39 = arith.cmpi ne, %rem3A_36, %ne3A_38 : vector<2x19200xi32>
    %and3A_40 = arith.andi %ne3A_34, %ne3A_39 : vector<2x19200xi1>
    %sub3A = arith.constant 1 : i32
    %sub3A_41 = vector.broadcast %sub3A : i32 to vector<2x19200xi32>
    %sub3A_42 = arith.subi %div3A_17, %sub3A_41 : vector<2x19200xi32>
    %select_n3A_43 = arith.select %and3A_40, %sub3A_42, %div3A_17 : vector<2x19200xi1>, vector<2x19200xi32>
    %convert_element_type3A_44 = arith.sitofp %select_n3A_43 : vector<2x19200xi32> to vector<2x19200xf32>
    %mul3A = arith.mulf %convert_element_type3A, %get3A_1 : vector<2x19200xf32>
    %convert_element_type3A_45 = arith.truncf %mul3A : vector<2x19200xf32> to vector<2x19200xbf16>
    %convert_element_type3A_46 = arith.extf %convert_element_type3A_45 : vector<2x19200xbf16> to vector<2x19200xf32>
    %mul3A_47 = arith.mulf %convert_element_type3A_44, %get3A_1 : vector<2x19200xf32>
    %convert_element_type3A_48 = arith.truncf %mul3A_47 : vector<2x19200xf32> to vector<2x19200xbf16>
    %convert_element_type3A_49 = arith.extf %convert_element_type3A_48 : vector<2x19200xbf16> to vector<2x19200xf32>
    %convert_element_type3A_50 = arith.truncf %get3A_1 : vector<2x19200xf32> to vector<2x19200xbf16>
    %convert_element_type3A_51 = arith.extf %convert_element_type3A_50 : vector<2x19200xbf16> to vector<2x19200xf32>
    %get3A_52 = arith.constant 0 : index
    %get3A_53 = arith.constant 0 : index
    %get3A_54 = vector.load %arg1[%get3A_52, %get3A_53] : memref<2x128xf32, #tpu.memory_space<vmem>>, vector<2x1xf32>
    %convert_element_type3A_55 = arith.truncf %get3A_54 : vector<2x1xf32> to vector<2x1xbf16>
    %convert_element_type3A_56 = arith.extf %convert_element_type3A_55 : vector<2x1xbf16> to vector<2x1xf32>
    %get3A_57 = arith.constant 0 : index
    %get3A_58 = arith.constant 1 : index
    %get3A_59 = vector.load %arg1[%get3A_57, %get3A_58] : memref<2x128xf32, #tpu.memory_space<vmem>>, vector<2x1xf32>
    %convert_element_type3A_60 = arith.truncf %get3A_59 : vector<2x1xf32> to vector<2x1xbf16>
    %convert_element_type3A_61 = arith.extf %convert_element_type3A_60 : vector<2x1xbf16> to vector<2x1xf32>
    %get3A_62 = arith.constant 0 : index
    %get3A_63 = arith.constant 2 : index
    %get3A_64 = vector.load %arg1[%get3A_62, %get3A_63] : memref<2x128xf32, #tpu.memory_space<vmem>>, vector<2x1xf32>
    %convert_element_type3A_65 = arith.truncf %get3A_64 : vector<2x1xf32> to vector<2x1xbf16>
    %convert_element_type3A_66 = arith.extf %convert_element_type3A_65 : vector<2x1xbf16> to vector<2x1xf32>
    %get3A_67 = arith.constant 0 : index
    %get3A_68 = arith.constant 3 : index
    %get3A_69 = vector.load %arg1[%get3A_67, %get3A_68] : memref<2x128xf32, #tpu.memory_space<vmem>>, vector<2x1xf32>
    %convert_element_type3A_70 = arith.truncf %get3A_69 : vector<2x1xf32> to vector<2x1xbf16>
    %convert_element_type3A_71 = arith.extf %convert_element_type3A_70 : vector<2x1xbf16> to vector<2x1xf32>
    %mul3A_72 = vector.broadcast %convert_element_type3A_56 : vector<2x1xf32> to vector<2x19200xf32>
    %mul3A_73 = arith.mulf %mul3A_72, %convert_element_type3A_46 : vector<2x19200xf32>
    %mul3A_74 = vector.broadcast %convert_element_type3A_61 : vector<2x1xf32> to vector<2x19200xf32>
    %mul3A_75 = arith.mulf %mul3A_74, %convert_element_type3A_49 : vector<2x19200xf32>
    %add3A_76 = arith.addf %mul3A_73, %mul3A_75 : vector<2x19200xf32>
    %mul3A_77 = vector.broadcast %convert_element_type3A_66 : vector<2x1xf32> to vector<2x19200xf32>
    %mul3A_78 = arith.mulf %mul3A_77, %convert_element_type3A_51 : vector<2x19200xf32>
    %add3A_79 = arith.addf %add3A_76, %mul3A_78 : vector<2x19200xf32>
    %add3A_80 = vector.broadcast %convert_element_type3A_71 : vector<2x1xf32> to vector<2x19200xf32>
    %add3A_81 = arith.addf %add3A_79, %add3A_80 : vector<2x19200xf32>
    %get3A_82 = arith.constant 0 : index
    %get3A_83 = arith.constant 4 : index
    %get3A_84 = vector.load %arg1[%get3A_82, %get3A_83] : memref<2x128xf32, #tpu.memory_space<vmem>>, vector<2x1xf32>
    %convert_element_type3A_85 = arith.truncf %get3A_84 : vector<2x1xf32> to vector<2x1xbf16>
    %convert_element_type3A_86 = arith.extf %convert_element_type3A_85 : vector<2x1xbf16> to vector<2x1xf32>
    %get3A_87 = arith.constant 0 : index
    %get3A_88 = arith.constant 5 : index
    %get3A_89 = vector.load %arg1[%get3A_87, %get3A_88] : memref<2x128xf32, #tpu.memory_space<vmem>>, vector<2x1xf32>
    %convert_element_type3A_90 = arith.truncf %get3A_89 : vector<2x1xf32> to vector<2x1xbf16>
    %convert_element_type3A_91 = arith.extf %convert_element_type3A_90 : vector<2x1xbf16> to vector<2x1xf32>
    %get3A_92 = arith.constant 0 : index
    %get3A_93 = arith.constant 6 : index
    %get3A_94 = vector.load %arg1[%get3A_92, %get3A_93] : memref<2x128xf32, #tpu.memory_space<vmem>>, vector<2x1xf32>
    %convert_element_type3A_95 = arith.truncf %get3A_94 : vector<2x1xf32> to vector<2x1xbf16>
    %convert_element_type3A_96 = arith.extf %convert_element_type3A_95 : vector<2x1xbf16> to vector<2x1xf32>
    %get3A_97 = arith.constant 0 : index
    %get3A_98 = arith.constant 7 : index
    %get3A_99 = vector.load %arg1[%get3A_97, %get3A_98] : memref<2x128xf32, #tpu.memory_space<vmem>>, vector<2x1xf32>
    %convert_element_type3A_100 = arith.truncf %get3A_99 : vector<2x1xf32> to vector<2x1xbf16>
    %convert_element_type3A_101 = arith.extf %convert_element_type3A_100 : vector<2x1xbf16> to vector<2x1xf32>
    %mul3A_102 = vector.broadcast %convert_element_type3A_86 : vector<2x1xf32> to vector<2x19200xf32>
    %mul3A_103 = arith.mulf %mul3A_102, %convert_element_type3A_46 : vector<2x19200xf32>
    %mul3A_104 = vector.broadcast %convert_element_type3A_91 : vector<2x1xf32> to vector<2x19200xf32>
    %mul3A_105 = arith.mulf %mul3A_104, %convert_element_type3A_49 : vector<2x19200xf32>
    %add3A_106 = arith.addf %mul3A_103, %mul3A_105 : vector<2x19200xf32>
    %mul3A_107 = vector.broadcast %convert_element_type3A_96 : vector<2x1xf32> to vector<2x19200xf32>
    %mul3A_108 = arith.mulf %mul3A_107, %convert_element_type3A_51 : vector<2x19200xf32>
    %add3A_109 = arith.addf %add3A_106, %mul3A_108 : vector<2x19200xf32>
    %add3A_110 = vector.broadcast %convert_element_type3A_101 : vector<2x1xf32> to vector<2x19200xf32>
    %add3A_111 = arith.addf %add3A_109, %add3A_110 : vector<2x19200xf32>
    %get3A_112 = arith.constant 0 : index
    %get3A_113 = arith.constant 8 : index
    %get3A_114 = vector.load %arg1[%get3A_112, %get3A_113] : memref<2x128xf32, #tpu.memory_space<vmem>>, vector<2x1xf32>
    %convert_element_type3A_115 = arith.truncf %get3A_114 : vector<2x1xf32> to vector<2x1xbf16>
    %convert_element_type3A_116 = arith.extf %convert_element_type3A_115 : vector<2x1xbf16> to vector<2x1xf32>
    %get3A_117 = arith.constant 0 : index
    %get3A_118 = arith.constant 9 : index
    %get3A_119 = vector.load %arg1[%get3A_117, %get3A_118] : memref<2x128xf32, #tpu.memory_space<vmem>>, vector<2x1xf32>
    %convert_element_type3A_120 = arith.truncf %get3A_119 : vector<2x1xf32> to vector<2x1xbf16>
    %convert_element_type3A_121 = arith.extf %convert_element_type3A_120 : vector<2x1xbf16> to vector<2x1xf32>
    %get3A_122 = arith.constant 0 : index
    %get3A_123 = arith.constant 10 : index
    %get3A_124 = vector.load %arg1[%get3A_122, %get3A_123] : memref<2x128xf32, #tpu.memory_space<vmem>>, vector<2x1xf32>
    %convert_element_type3A_125 = arith.truncf %get3A_124 : vector<2x1xf32> to vector<2x1xbf16>
    %convert_element_type3A_126 = arith.extf %convert_element_type3A_125 : vector<2x1xbf16> to vector<2x1xf32>
    %get3A_127 = arith.constant 0 : index
    %get3A_128 = arith.constant 11 : index
    %get3A_129 = vector.load %arg1[%get3A_127, %get3A_128] : memref<2x128xf32, #tpu.memory_space<vmem>>, vector<2x1xf32>
    %convert_element_type3A_130 = arith.truncf %get3A_129 : vector<2x1xf32> to vector<2x1xbf16>
    %convert_element_type3A_131 = arith.extf %convert_element_type3A_130 : vector<2x1xbf16> to vector<2x1xf32>
    %mul3A_132 = vector.broadcast %convert_element_type3A_116 : vector<2x1xf32> to vector<2x19200xf32>
    %mul3A_133 = arith.mulf %mul3A_132, %convert_element_type3A_46 : vector<2x19200xf32>
    %mul3A_134 = vector.broadcast %convert_element_type3A_121 : vector<2x1xf32> to vector<2x19200xf32>
    %mul3A_135 = arith.mulf %mul3A_134, %convert_element_type3A_49 : vector<2x19200xf32>
    %add3A_136 = arith.addf %mul3A_133, %mul3A_135 : vector<2x19200xf32>
    %mul3A_137 = vector.broadcast %convert_element_type3A_126 : vector<2x1xf32> to vector<2x19200xf32>
    %mul3A_138 = arith.mulf %mul3A_137, %convert_element_type3A_51 : vector<2x19200xf32>
    %add3A_139 = arith.addf %add3A_136, %mul3A_138 : vector<2x19200xf32>
    %add3A_140 = vector.broadcast %convert_element_type3A_131 : vector<2x1xf32> to vector<2x19200xf32>
    %add3A_141 = arith.addf %add3A_139, %add3A_140 : vector<2x19200xf32>
    %get3A_142 = arith.constant 0 : index
    %get3A_143 = arith.constant 12 : index
    %get3A_144 = vector.load %arg1[%get3A_142, %get3A_143] : memref<2x128xf32, #tpu.memory_space<vmem>>, vector<2x1xf32>
    %sub3A_145 = vector.broadcast %get3A_144 : vector<2x1xf32> to vector<2x19200xf32>
    %sub3A_146 = arith.subf %add3A_81, %sub3A_145 : vector<2x19200xf32>
    %div3A_147 = arith.constant 4.000000e-02 : f32
    %div3A_148 = vector.broadcast %div3A_147 : f32 to vector<2x19200xf32>
    %div3A_149 = arith.divf %sub3A_146, %div3A_148 : vector<2x19200xf32>
    %round3A = math.roundeven %div3A_149 : vector<2x19200xf32>
    %convert_element_type3A_150 = arith.fptosi %round3A : vector<2x19200xf32> to vector<2x19200xi32>
    %get3A_151 = arith.constant 0 : index
    %get3A_152 = arith.constant 13 : index
    %get3A_153 = vector.load %arg1[%get3A_151, %get3A_152] : memref<2x128xf32, #tpu.memory_space<vmem>>, vector<2x1xf32>
    %sub3A_154 = vector.broadcast %get3A_153 : vector<2x1xf32> to vector<2x19200xf32>
    %sub3A_155 = arith.subf %add3A_111, %sub3A_154 : vector<2x19200xf32>
    %div3A_156 = arith.constant 4.000000e-02 : f32
    %div3A_157 = vector.broadcast %div3A_156 : f32 to vector<2x19200xf32>
    %div3A_158 = arith.divf %sub3A_155, %div3A_157 : vector<2x19200xf32>
    %round3A_159 = math.roundeven %div3A_158 : vector<2x19200xf32>
    %convert_element_type3A_160 = arith.fptosi %round3A_159 : vector<2x19200xf32> to vector<2x19200xi32>
    %get3A_161 = arith.constant 0 : index
    %get3A_162 = arith.constant 14 : index
    %get3A_163 = vector.load %arg1[%get3A_161, %get3A_162] : memref<2x128xf32, #tpu.memory_space<vmem>>, vector<2x1xf32>
    %sub3A_164 = vector.broadcast %get3A_163 : vector<2x1xf32> to vector<2x19200xf32>
    %sub3A_165 = arith.subf %add3A_141, %sub3A_164 : vector<2x19200xf32>
    %div3A_166 = arith.constant 4.000000e-02 : f32
    %div3A_167 = vector.broadcast %div3A_166 : f32 to vector<2x19200xf32>
    %div3A_168 = arith.divf %sub3A_165, %div3A_167 : vector<2x19200xf32>
    %round3A_169 = math.roundeven %div3A_168 : vector<2x19200xf32>
    %convert_element_type3A_170 = arith.fptosi %round3A_169 : vector<2x19200xf32> to vector<2x19200xi32>
    %gt3A = arith.constant 0.000000e+00 : f32
    %gt3A_171 = vector.broadcast %gt3A : f32 to vector<2x19200xf32>
    %gt3A_172 = arith.cmpf ogt, %get3A_1, %gt3A_171 : vector<2x19200xf32>
    %ge3A = arith.constant 0 : i32
    %ge3A_173 = vector.broadcast %ge3A : i32 to vector<2x19200xi32>
    %ge3A_174 = arith.cmpi sge, %convert_element_type3A_150, %ge3A_173 : vector<2x19200xi32>
    %and3A_175 = arith.andi %gt3A_172, %ge3A_174 : vector<2x19200xi1>
    %lt3A_176 = arith.constant 96 : i32
    %lt3A_177 = vector.broadcast %lt3A_176 : i32 to vector<2x19200xi32>
    %lt3A_178 = arith.cmpi slt, %convert_element_type3A_150, %lt3A_177 : vector<2x19200xi32>
    %and3A_179 = arith.andi %and3A_175, %lt3A_178 : vector<2x19200xi1>
    %ge3A_180 = arith.constant 0 : i32
    %ge3A_181 = vector.broadcast %ge3A_180 : i32 to vector<2x19200xi32>
    %ge3A_182 = arith.cmpi sge, %convert_element_type3A_160, %ge3A_181 : vector<2x19200xi32>
    %and3A_183 = arith.andi %and3A_179, %ge3A_182 : vector<2x19200xi1>
    %lt3A_184 = arith.constant 96 : i32
    %lt3A_185 = vector.broadcast %lt3A_184 : i32 to vector<2x19200xi32>
    %lt3A_186 = arith.cmpi slt, %convert_element_type3A_160, %lt3A_185 : vector<2x19200xi32>
    %and3A_187 = arith.andi %and3A_183, %lt3A_186 : vector<2x19200xi1>
    %ge3A_188 = arith.constant 0 : i32
    %ge3A_189 = vector.broadcast %ge3A_188 : i32 to vector<2x19200xi32>
    %ge3A_190 = arith.cmpi sge, %convert_element_type3A_170, %ge3A_189 : vector<2x19200xi32>
    %and3A_191 = arith.andi %and3A_187, %ge3A_190 : vector<2x19200xi1>
    %lt3A_192 = arith.constant 48 : i32
    %lt3A_193 = vector.broadcast %lt3A_192 : i32 to vector<2x19200xi32>
    %lt3A_194 = arith.cmpi slt, %convert_element_type3A_170, %lt3A_193 : vector<2x19200xi32>
    %and3A_195 = arith.andi %and3A_191, %lt3A_194 : vector<2x19200xi1>
    %mul3A_196 = arith.constant 4608 : i32
    %mul3A_197 = vector.broadcast %mul3A_196 : i32 to vector<2x19200xi32>
    %mul3A_198 = arith.muli %convert_element_type3A_150, %mul3A_197 : vector<2x19200xi32>
    %mul3A_199 = arith.constant 48 : i32
    %mul3A_200 = vector.broadcast %mul3A_199 : i32 to vector<2x19200xi32>
    %mul3A_201 = arith.muli %convert_element_type3A_160, %mul3A_200 : vector<2x19200xi32>
    %add3A_202 = arith.addi %mul3A_198, %mul3A_201 : vector<2x19200xi32>
    %add3A_203 = arith.addi %add3A_202, %convert_element_type3A_170 : vector<2x19200xi32>
    %iota3A_204 = tpu.iota {dimensions = array<i32: 0>} : vector<2x19200xi32>
    %mul3A_205 = arith.constant 442368 : i32
    %mul3A_206 = vector.broadcast %mul3A_205 : i32 to vector<2x19200xi32>
    %mul3A_207 = arith.muli %iota3A_204, %mul3A_206 : vector<2x19200xi32>
    %add3A_208 = arith.addi %add3A_203, %mul3A_207 : vector<2x19200xi32>
    %jit3A_209 = arith.constant 1073741824 : i32
    %broadcast_in_dim3A = vector.broadcast %jit3A_209 : i32 to vector<2x19200xi32>
    %select_n3A_210 = arith.select %and3A_195, %add3A_208, %broadcast_in_dim3A : vector<2x19200xi1>, vector<2x19200xi32>
    %swap3A = arith.constant 0 : index
    %swap3A_211 = arith.constant 0 : index
    %swap3A_212 = vector.load %arg2[%swap3A, %swap3A_211] : memref<2x19200xi32, #tpu.memory_space<vmem>>, vector<2x19200xi32>
    tpu.vector_store %arg2[%swap3A, %swap3A_211], %select_n3A_210 {strides = array<i32>} : memref<2x19200xi32, #tpu.memory_space<vmem>>, vector<2x19200xi32>,
    return
  }
}

</mosaic_0001>

<sc_bundles>
// kernel: kernel.6.cloned.1.call-start
scs
__scs_entry_jumppad:
0x0: {  	(pc) =	sbr.rel $0x88, $3  }
0x1: {  	(tag) =	ssettag $0x0;
	lr =	simm.s32 $0x1  }
0x2: {  	[smem:$0x3F9D] =	sst lr;
	_ =	strace $0xD0000000  }
0x3: {  	_ = 	snop  }
0x4: {  	_ = 	snop  }
0x5: {  	_ = 	snop  }
0x6: {  	_ = 	snop  }
0x7: {  	_ = 	snop  }
__scs_overlays_trampoline_lowered:
0x8: {  	[smem:$0x3FAC] =	sst s0  }
0x9: {  	[smem:$0x3FAD] =	sst s1  }
0xa: {  	[smem:$0x3FAE] =	sst s2  }
0xb: {  	[smem:$0x3FAF] =	sst s3  }
0xc: {  	[smem:$0x3FB0] =	sst s4  }
0xd: {  	[smem:$0x3FB1] =	sst s5  }
0xe: {  	[smem:$0x3FB2] =	sst s6  }
0xf: {  	[smem:$0x3FB3] =	sst s7  }
0x10: {  	[smem:$0x3FB4] =	sst s8  }
0x11: {  	[smem:$0x3FB5] =	sst s9;
	s0 =	simm.s32 @!p0 $0x0  }
0x12: {  	s1 =	sld [smem:$0x3F9B];
	s0 =	simm.s32 @p0 $0x1  }
0x13: {  	[smem:$0x3FB6] =	sst s0;
	s0 =	simm.s32 @!p1 $0x0  }
0x14: {  	s2 =	sld [smem:$0x3F9A];
	s0 =	simm.s32 @p1 $0x1  }
0x15: {  	[smem:$0x3FB7] =	sst s0;
	s0 =	simm.s32 @!p2 $0x0  }
0x16: {  	s3 =	sld [smem:$0x3FDB];
	s0 =	simm.s32 @p2 $0x1  }
0x17: {  	s4 =	simm.s32 $0x1BF5;
	[smem:$0x3FB9] =	sst s0  }
0x18: {  	s0 =	sld [smem:$0x3F9C];
	_ =	swait.ge [sflag:s4], $0x0  }
0x19: {  	s7 =	sld [smem:$0x3F9D]  }
0x1a: {  	s8 =	sadd.s32 $0xFFFFE003, lr  }
0x1b: {  	s9 =	sadd.s32 $0xFFFFFEF7, lr;
	s5 =	simm.s32 $0xFFFFFFFF;
	p2 =	slt.u32 s8, $0xFFFFF086  }
0x1c: {  	p1 =	slt.u32 s9, $0xF7A;
	s5 =	simm.s32 @!p2 $0x0  }
0x1d: {  	s5 =	simm.s32 @p1 $0x1;
	p0 =	seq.s32 s7, s2  }
0x1e: {  	s7 =	smul.u32 @!p0 $0xF7A, s2;
	p2 =	seq.s32 @!p0 s5, $0x0  }
0x1f: {  	s9 =	smul.u32 $0xF7A, s1;
	s8 =	simm.s32 @!p0 $0x1BF5;
	p2 =	por !p2, p0  }
0x20: {  	[sflag:s8] =	ssyncset.s32 @!p0 $0xFFFFF086;
	s6 =	sadd.s32 @!p0 s3, s7;
	s7 =	simm.s32 @!p0 $0x108  }
0x21: {  	s3 =	sadd.s32 s3, s9;
	s6 =	sadd.s32 @!p0 $0x88, s6;
	s7 =	simm.s32 @p2 $0x1082  }
0x22: {  	[simem:s7], [sflag:s8] =	dma.local @!p0 [hbm:s6], $0xF7A  }
0x23: {  	s9 =	sor.u32 $0xD0000000, s2;
	s6 =	simm.s32 $0x108;
	_ =	swait.ge @!p0 [sflag:s8], $0x0  }
0x24: {  	s3 =	sadd.s32 $0x88, s3;
	s6 =	simm.s32 @!p1 $0x1082;
	[sflag:s4] =	ssyncset.s32 $0xFFFFF086  }
0x25: {  	[simem:s6], [sflag:s4] =	dma.local [hbm:s3], $0xF7A  }
0x26: {  	[smem:$0x3F9D] =	sst s1;
	(tag) =	ssettag s2;
	_ =	strace s9  }
0x27: {  	s1 =	sld [smem:$0x3FAD]  }
0x28: {  	s2 =	sld [smem:$0x3FAE]  }
0x29: {  	s4 =	sld [smem:$0x3FB0]  }
0x2a: {  	p0 =	seq.s32 s5, $0x0;
	s5 =	sld [smem:$0x3FB1]  }
0x2b: {  	s6 =	sld [smem:$0x3FB2]  }
0x2c: {  	s7 =	sld [smem:$0x3FB3]  }
0x2d: {  	s3 =	simm.s32 $0x108;
	s8 =	sld [smem:$0x3FB4]  }
0x2e: {  	s3 =	simm.s32 @!p0 $0x1082;
	s9 =	sld [smem:$0x3FB5]  }
0x2f: {  	lr =	sadd.s32 s0, s3;
	s0 =	sld [smem:$0x3FAC]  }
0x30: {  	s3 =	sld [smem:$0x3FAF]  }
0x31: {  	[smem:$0x3FB8] =	sst s10  }
0x32: {  	s10 =	sld [smem:$0x3FB6];
	_ =	sdelay $0x3  }
0x33: {  	p0 =	seq.s32 s10, $0x1;
	s10 =	sld [smem:$0x3FB8];
	_ =	sdelay $0x3  }
0x34: {  	[smem:$0x3FB8] =	sst s10  }
0x35: {  	s10 =	sld [smem:$0x3FB7];
	_ =	sdelay $0x3  }
0x36: {  	p1 =	seq.s32 s10, $0x1;
	s10 =	sld [smem:$0x3FB8];
	_ =	sdelay $0x3  }
0x37: {  	[smem:$0x3FB8] =	sst s10  }
0x38: {  	s10 =	sld [smem:$0x3FB9]  }
0x39: {  	_ = 	snop;
	(pc) =	sbr.ind lr, $3  }
0x3a: {  	_ = 	snop  }
0x3b: {  	_ = 	snop  }
0x3c: {  	p2 =	seq.s32 s10, $0x1;
	s10 =	sld [smem:$0x3FB8]  }
0x3d: {  	_ =	shalt  }
0x3e: {  	_ =	shalt  }
0x3f: {  	_ =	shalt  }
0x40: {  	_ =	shalt  }
0x41: {  	_ =	shalt  }
0x42: {  	_ =	shalt  }
0x43: {  	_ =	shalt  }
0x44: {  	_ =	shalt  }
0x45: {  	_ =	shalt  }
0x46: {  	_ =	shalt  }
0x47: {  	_ =	shalt  }
0x48: {  	_ =	shalt  }
0x49: {  	_ =	shalt  }
0x4a: {  	_ =	shalt  }
0x4b: {  	_ =	shalt  }
0x4c: {  	_ =	shalt  }
0x4d: {  	_ =	shalt  }
0x4e: {  	_ =	shalt  }
0x4f: {  	_ =	shalt  }
0x50: {  	_ =	shalt  }
0x51: {  	_ =	shalt  }
0x52: {  	_ =	shalt  }
0x53: {  	_ =	shalt  }
0x54: {  	_ =	shalt  }
0x55: {  	_ =	shalt  }
0x56: {  	_ =	shalt  }
0x57: {  	_ =	shalt  }
0x58: {  	_ =	shalt  }
0x59: {  	_ =	shalt  }
0x5a: {  	_ =	shalt  }
0x5b: {  	_ =	shalt  }
0x5c: {  	_ =	shalt  }
0x5d: {  	_ =	shalt  }
0x5e: {  	_ =	shalt  }
0x5f: {  	_ =	shalt  }
0x60: {  	_ =	shalt  }
0x61: {  	_ =	shalt  }
0x62: {  	_ =	shalt  }
0x63: {  	_ =	shalt  }
0x64: {  	_ =	shalt  }
0x65: {  	_ =	shalt  }
0x66: {  	_ =	shalt  }
0x67: {  	_ =	shalt  }
0x68: {  	_ =	shalt  }
0x69: {  	_ =	shalt  }
0x6a: {  	_ =	shalt  }
0x6b: {  	_ =	shalt  }
0x6c: {  	_ =	shalt  }
0x6d: {  	_ =	shalt  }
0x6e: {  	_ =	shalt  }
0x6f: {  	_ =	shalt  }
0x70: {  	_ =	shalt  }
0x71: {  	_ =	shalt  }
0x72: {  	_ =	shalt  }
0x73: {  	_ =	shalt  }
0x74: {  	_ =	shalt  }
0x75: {  	_ =	shalt  }
0x76: {  	_ =	shalt  }
0x77: {  	_ =	shalt  }
0x78: {  	_ =	shalt  }
0x79: {  	_ =	shalt  }
0x7a: {  	_ =	shalt  }
0x7b: {  	_ =	shalt  }
0x7c: {  	_ =	shalt  }
0x7d: {  	_ =	shalt  }
0x7e: {  	_ =	shalt  }
0x7f: {  	_ =	shalt  }
0x80: {  	_ =	shalt  }
0x81: {  	_ =	shalt  }
0x82: {  	_ =	shalt  }
0x83: {  	_ =	shalt  }
0x84: {  	_ =	shalt  }
0x85: {  	_ =	shalt  }
0x86: {  	_ =	shalt  }
0x87: {  	_ =	shalt  }
.Lfunc_end0:
.L_simem_size_0:
called_computation.2_lowered:
.L_overlay_start_0:
0x88: {  	s2 =	sld [smem:$0x3FD9]  }
0x89: {  	s3 =	sld [smem:$0x3FFE];
	_ =	sdelay $0x1  }
0x8a: {  	s1 =	srdreg.scid  }
0x8b: {  	s0 =	sand.u32 $0x1, s1  }
0x8c: {  	s14 =	sshll.u32 s0, $0xA;
	s2 =	sadd.s32 s3, s2  }
0x8d: {  	s2 =	sadd.s32 s2, s14  }
0x8e: {  	[smem:$0x3FC4] =	sst s2  }
0x8f: {  	_ = 	snop  }
0x90: {  	s2 =	sld [smem:$0x3FD0];
	_ =	sdelay $0x2  }
0x91: {  	s15 =	simm.s32 $0xA;
	s4 =	simm.s32 $0x10  }
0x92: {  	[smem:s4], [sflag:s15] =	dma.local [hbm:s2], $0x1  }
0x93: {  	_ =	swait.eq [sflag:s15], $0x1  }
0x94: {  	[sflag:s15] =	ssyncset.done $0x0  }
0x95: {  	[sflag:s15] =	ssyncadd.s32 $0xFFFFFFFF  }
0x96: {  	s16 =	sld [smem:$0x11];
	(tm) =	ssettm $0x1  }
0x97: {  	s17 =	sld [smem:$0x3FFB];
	_ =	sdelay $0x3  }
0x98: {  	_ =	strace s17  }
0x99: {  	s3 =	sld [smem:$0x3FFC];
	_ =	sdelay $0x3  }
0x9a: {  	_ =	strace s3  }
0x9b: {  	s3 =	sld [smem:$0x3FFD];
	_ =	sdelay $0x3  }
0x9c: {  	_ =	strace s3  }
0x9d: {  	_ =	strace $0x8FFFFFFF  }
0x9e: {  	s18 =	sld [smem:$0x3FDB];
	_ =	sdelay $0x1  }
0x9f: {  	s19 =	simm.s32 $_scs_section_size  }
0xa0: {  	s5 =	simm.s32 $_size__tile_overlayer_lowered;
	s6 =	simm.s32 $_tile_overlayer_lowered  }
0xa1: {  	s22 =	simm.s32 $0x1BFF;
	s21 =	sshll.u32 s6, $0x1;
	s3 =	sadd.s32 s19, s18  }
0xa2: {  	s7 =	simm.s32 $0x0;
	s20 =	sshll.u32 s5, $0x1;
	s5 =	sadd.s32 s21, s3  }
0xa3: {  	[timem:s7], [sflag:s22] =	dma.local [hbm:s5], s20  }
0xa4: {  	_ =	swait.ge [sflag:s22], s20  }
0xa5: {  	s4 =	ssub.s32 $0x0, s20;
	[sflag:s22] =	ssyncset.done $0x0  }
0xa6: {  	[sflag:s22] =	ssyncadd.s32 s4;
	_ =	sdelay $0x1  }
0xa7: {  	s23 =	simm.s32 $0x1B8B  }
0xa8: {  	_ =	swait.ge [sflag:s23], $0x1  }
0xa9: {  	[sflag:s23] =	ssyncset.done $0x0  }
0xaa: {  	s25 =	simm.s32 $0x1B8E;
	s24 =	sld [smem:$0x3FFE];
	[sflag:s23] =	ssyncadd.s32 $0xFFFFFFFF  }
0xab: {  	s26 =	simm.s32 $execute0_lowered;
	[smem:$0x3FD2] =	sst s25  }
0xac: {  	s5 =	sshll.u32 s26, $0x1;
	_ =	strace $0x80000049;
	[dreg:$0x1] =	wrdreg $0xFFFFFFFF  }
0xad: {  	s28 =	simm.s32 $_size_execute0_lowered;
	s3 =	sadd.s32 s3, s5;
	[dreg:$0x0] =	wrdreg $0x0  }
0xae: {  	s5 =	sshll.u32 s28, $0x1;
	[dreg:$0x2] =	wrdreg s3  }
0xaf: {  	[dreg:$0x3] =	wrdreg s5  }
0xb0: {  	[dreg:$0x4] =	wrdreg $0xC0  }
0xb1: {  	_ =	task [dreg:s7], $0x5FFFF  }
0xb2: {  	[dreg:$0x1] =	wrdreg $0xFFFFFFFF  }
0xb3: {  	[dreg:$0x0] =	wrdreg $0x60  }
0xb4: {  	[dreg:$0x2] =	wrdreg s24  }
0xb5: {  	[dreg:$0x3] =	wrdreg s16  }
0xb6: {  	[dreg:$0x4] =	wrdreg $0x9  }
0xb7: {  	_ =	task.clear_ibuf [dreg:s7], $0x5FFFF;
	_ =	strace $0x90000049  }
0xb8: {  	s29 =	simm.s32 $0x9;
	_ =	strace $0x8000004B  }
0xb9: {  	_ =	swait.ge [sflag:s29], $0x1  }
0xba: {  	[sflag:s29] =	ssyncadd.s32 $0xFFFFFFFF  }
0xbb: {  	_ =	strace $0x9000004B  }
0xbc: {  	_ =	sfence  }
0xbd: {  	s30 =	sld [smem:$0x0];
	_ =	sdelay $0x2  }
0xbe: {  	s31 =	sshll.u32 s1, $0xD;
	s1 =	sshrl.u32 s1, $0x2  }
0xbf: {  	s3 =	sand.u32 $0x4000, s31;
	s1 =	sadd.s32 s1, s30  }
0xc0: {  	s0 =	sor.u32 s3, s0;
	s1 =	sshll.u32 s1, $0x11  }
0xc1: {  	s0 =	sor.u32 s1, s0  }
0xc2: {  	s0 =	sadd.s32 $0x8F2B, s0  }
0xc3: {  	[sflag:s0] =	ssyncadd.remote.s32 $0x1  }
0xc4: {  	_ =	sfence.sel $0xFFFF  }
0xc5: {  	[dreg:$0x0] =	wrdreg $0xFFFFFFFF;
	(pc) =	sbr.abs _section_cstart, $3  }
0xc6: {  	[dreg:$0x1] =	wrdreg $0xFFFFFFFF  }
0xc7: {  	_ =	task.clear_ibuf [dreg:s7], $0x2FFFF;
	_ =	strace $0x9FFFFFFF  }
0xc8: {  	(tm) =	ssettm $0x7FFFFFFF  }
0xc9: {  	_ =	shalt  }
tec
execute0_lowered:
.L_overlay_start_1:
0x0: {  	(tag) =	ssettag $0x1  }
0x1: {  	s0 =	rddreg [dreg:$0x0]  }
0x2: {  	s1 =	rddreg [dreg:$0x1];
	s2 =	simm.s32 $0x0  }
0x3: {  	s3 =	srdreg.scid;
	s8 =	stileid.u32;
	s9 =	simm.s32 $0x3  }
0x4: {  	s10 =	simm.s32 $0x1;
	s11 =	simm.s32 $0x6C00;
	s12 =	simm.s32 $0x80  }
0x5: {  	s13 =	simm.s32 $0xE200;
	s14 =	simm.s32 $0xF300;
	s15 =	simm.s32 $0xE280  }
0x6: {  	s16 =	simm.s32 $0x1000;
	s17 =	simm.s32 $0xE300;
	s18 =	simm.s32 $0x13300  }
0x7: {  	s19 =	simm.s32 $0x2;
	s20 =	simm.s32 $0x14300;
	s21 =	simm.s32 $0x14380  }
.Ltmp0:
0x8: {  	s22 =	simm.s32 $0x0;
	s3 =	sand.u32 $0x1, s3;
	(pc) =	sbr.rel .LBB2_1-.Ltmp0, $4  }
0x9: {  	[smem:$0x7FF] =	sst s2;
	s4 =	sadd.s32 $0x362400, s0;
	s6 =	ssub.s32 $0x2, s3  }
0xa: {  	v3 =	vlaneseq.u32;
	s5 =	sadd.s32 $0x363800, s0;
	s8 =	sshll.u32 s8, $0x1;
	s7 =	sshrl.u32 s6, $0x1  }
0xb: {  	v1 =	vimm.s32 $0x0;
	v2 =	vimm.f32 $1.000000000e+00;
	v4 =	vadd.s32 $0x1, v3;
	_ =	strace $0x8000004A;
	s31 =	sor.u32 s3, s8;
	s7 =	ssub.s32 s6, s7  }
0xc: {  	v5 =	vmul.u32 $0x10000, v3;
	v6 =	vmul.u32 $0x6C000, v3;
	s8 =	simm.s32 $0xD880;
	v0 =	vmov s31;
	s6 =	sadd.s32 $0x2400, s0;
	s7 =	smax.u32 s7, $0x1  }
.LBB2_18:
0xd: {  	s22 =	sadd.s32 $0x1, s22  }
0xe: {  	p0 =	sne.s32 s22, s7  }
.Ltmp1:
0xf: {  	_ = 	snop;
	(pc) =	sbr.rel @!p0 .LBB2_19-.Ltmp1, $1  }
0x10: {  	_ =	sdelay $0x3  }
.LBB2_1:
0x11: {  	s0 =	simm.s32 $0x40;
	s3 =	simm.s32 $0x0  }
.LBB2_2:
0x12: {  	p0 =	sne.s32 s0, $0x1AFC0;
	[tilespmem:s3+$0x0] =	vst v1;
	s3 =	smov.u32 s0;
	s0 =	sadd.s32 $0x40, s0  }
.Ltmp2:
0x13: {  	(pc) =	sbr.rel @p0 .LBB2_2-.Ltmp2, $2  }
0x14: {  	_ =	sdelay $0x2  }
0x15: {  	s3 =	sshra.s32 s3, $0x2  }
0x16: {  	[tilespmem:s3+$0x0] =	vst v1  }
0x17: {  	[tilespmem:$0x14380] =	vst v2  }
0x18: {  	[tilespmem:$0x14390] =	vst v2  }
0x19: {  	[tilespmem:$0x143A0] =	vst v2  }
0x1a: {  	[tilespmem:$0x143B0] =	vst v2  }
0x1b: {  	[tilespmem:$0x143C0] =	vst v2  }
0x1c: {  	[tilespmem:$0x143D0] =	vst v2  }
0x1d: {  	[tilespmem:$0x143E0] =	vst v2  }
0x1e: {  	s23 =	simm.s32 $0x0;
	s24 =	simm.s32 $0x0;
	s25 =	simm.s32 $0x0;
	[tilespmem:$0x143F0] =	vst v2  }
.LBB2_4:
0x1f: {  	s0 =	smul.u32 $0x960, s25;
	_ =	sdelay $0x1  }
0x20: {  	s0 =	sshrl.u32 s0, $0x3  }
0x21: {  	s0 =	sadd.s32 s4, s0  }
0x22: {  	[tilespmem:s8], [sflag:$0x3] =	stream.linear.gather [hbm4b:s0+s23], $0x960, $0x38;
	[tilespmem:$0x14400] =	vst v63  }
0x23: {  	_ =	swait.ge [sflag:s9], $0x960  }
0x24: {  	[sflag:s9] =	ssyncset.done $0x0  }
0x25: {  	s31 =	simm.s32 $0x0;
	[sflag:s9] =	ssyncadd.s32 $0xFFFFF6A0  }
0x26: {  	v7 =	vld [tilespmem:s31+$0xD880];
	_ =	sdelay $0x4  }
0x27: {  	v8 =	vand.u32 $0x1F, v7  }
0x28: {  	vm1 =	vlt.s32 v7, $0xD8000;
	vm0 =	veq.s32 v8, v0  }
0x29: {  	v7 =	vshra.s32 v7, $0x5;
	vm0 =	vmand vm1, vm0  }
0x2a: {  	v7 =	vnsel vm0, $0x0, v7;
	_ =	sdelay $0x3  }
0x2b: {  	v8 =	vadd.s32 s24, v4  }
0x2c: {  	s28 =	simm.s32 $0x10;
	s26 =	simm.s32 $0x80;
	s0 =	smov.u32 s24;
	[tilespmem:v7+s2+$0x0] =	vst.idx.msk vm0, v8  }
.LBB2_5:
0x2d: {  	p0 =	sne.s32 s26, $0x2540;
	v7 =	vld [tilespmem:s28+$0xD880];
	_ =	sdelay $0x4  }
0x2e: {  	v8 =	vand.u32 $0x1F, v7  }
0x2f: {  	vm1 =	vlt.s32 v7, $0xD8000;
	vm0 =	veq.s32 v8, v0  }
0x30: {  	v7 =	vshra.s32 v7, $0x5;
	vm0 =	vmand vm1, vm0  }
0x31: {  	v7 =	vnsel vm0, $0x0, v7  }
.Ltmp3:
0x32: {  	(pc) =	sbr.rel @p0 .LBB2_5-.Ltmp3, $4  }
0x33: {  	_ = 	snop  }
0x34: {  	s0 =	sadd.s32 $0x10, s0  }
0x35: {  	v8 =	vadd.s32 s0, v4  }
0x36: {  	s28 =	sshra.s32 s26, $0x2;
	s26 =	sadd.s32 $0x40, s26;
	[tilespmem:v7+s2+$0x0] =	vst.idx.msk vm0, v8  }
0x37: {  	v7 =	vld [tilespmem:s28+$0xD880];
	_ =	sdelay $0x4  }
0x38: {  	v8 =	vand.u32 $0x1F, v7  }
0x39: {  	vm1 =	vlt.s32 v7, $0xD8000;
	vm0 =	veq.s32 v8, v0  }
0x3a: {  	s25 =	sadd.s32 $0x1, s25;
	v7 =	vshra.s32 v7, $0x5;
	vm0 =	vmand vm1, vm0  }
0x3b: {  	p0 =	sne.s32 s25, $0x10;
	v7 =	vnsel vm0, $0x0, v7  }
.Ltmp4:
0x3c: {  	_ = 	snop;
	(pc) =	sbr.rel @p0 .LBB2_4-.Ltmp4, $4  }
0x3d: {  	_ = 	snop  }
0x3e: {  	s0 =	sadd.s32 $0x10, s0  }
0x3f: {  	v8 =	vadd.s32 s0, v4  }
0x40: {  	s24 =	sadd.s32 $0x960, s24;
	[tilespmem:v7+s2+$0x0] =	vst.idx.msk vm0, v8  }
0x41: {  	s23 =	simm.s32 $0x0  }
0x42: {  	v7 =	vld [tilespmem:s23+$0x0];
	_ =	sdelay $0x4  }
0x43: {  	vm0 =	vgt.s32 v7, $0x0  }
0x44: {  	v8 =	vmpcnt.ones.xlane vm0;
	_ =	sdelay $0x1  }
0x45: {  	v8 =	vxor.u32 $0x80000000, v8  }
0x46: {  	(xrf0) =	vmax.scan.msk.u32 $0xffff, v8  }
0x47: {  	v8 =	vmov s23  }
0x48: {  	v8 =	vshll.u32 v8, $0x10  }
0x49: {  	v8 =	vor.u32 v5, v8;
	_ =	sdelay $0x2  }
0x4a: {  	v7 =	vor.u32 v8, v7;
	v8, _, _ =	vpop (xrf0)  }
0x4b: {  	(v2sf) =	vpush v8, $0xF  }
0x4c: {  	s24 =	simm.s32 $0x10;
	[tilespmem:s23+$0x6C00] =	vst.msk vm0, v7  }
0x4d: {  	s0 =	simm.s32 $0x20;
	s25 =	simm.s32 $0x10;
	v7 =	vld [tilespmem:s24+$0x0]  }
.LBB2_8:
0x4e: {  	p0 =	sne.s32 s0, $0x6BF0  }
0x4f: {  	v8 =	vmov s24;
	s24 =	smov.u32 s0  }
0x50: {  	v8 =	vshll.u32 v8, $0x10  }
0x51: {  	v8 =	vor.u32 v5, v8  }
0x52: {  	vm0 =	vgt.s32 v7, $0x0;
	v7 =	vor.u32 v8, v7  }
0x53: {  	v8 =	vmpcnt.ones.xlane vm0;
	_ =	sdelay $0x1  }
0x54: {  	v8 =	vxor.u32 $0x80000000, v8  }
0x55: {  	(xrf0) =	vmax.scan.msk.u32 $0xffff, v8;
	_ =	sdelay $0x3  }
0x56: {  	s3 =	spop (v2sf)  }
.Ltmp5:
0x57: {  	s3 =	sadd.s32 s3, s23;
	(pc) =	sbr.rel @p0 .LBB2_8-.Ltmp5, $4  }
0x58: {  	v8, _, _ =	vpop (xrf0);
	s23 =	sadd.s32 $0x80000000, s3  }
0x59: {  	[tilespmem:s23+$0x6C00] =	vst.msk vm0, v7;
	(v2sf) =	vpush v8, $0xF  }
0x5a: {  	s25 =	sadd.s32 $0x10, s25  }
0x5b: {  	s0 =	sadd.s32 $0x10, s0;
	v7 =	vld [tilespmem:s25+$0x0]  }
0x5c: {  	_ =	sdelay $0x3  }
0x5d: {  	vm0 =	vgt.s32 v7, $0x0  }
0x5e: {  	v8 =	vmpcnt.ones.xlane vm0;
	_ =	sdelay $0x1  }
0x5f: {  	v8 =	vxor.u32 $0x80000000, v8  }
0x60: {  	(xrf0) =	vmax.scan.msk.u32 $0xffff, v8;
	_ =	sdelay $0x5  }
0x61: {  	v8, _, _ =	vpop (xrf0)  }
0x62: {  	(v2sf) =	vpush v8, $0xF;
	_ =	sdelay $0xc  }
0x63: {  	s0 =	spop (v2sf)  }
0x64: {  	s0 =	sadd.s32 s0, s23  }
0x65: {  	s0 =	sadd.s32 $0x80000000, s0;
	s3 =	spop (v2sf)  }
0x66: {  	s3 =	sadd.s32 s3, s0  }
0x67: {  	s23 =	sadd.s32 $0x80000000, s3  }
0x68: {  	s3 =	sadd.s32 $0x7F, s23  }
0x69: {  	s25 =	sand.u32 $0x7F, s3  }
0x6a: {  	s31 =	sshra.s32 s3, $0x1F;
	p1 =	slt.s32 s3, $0x1;
	p0 =	sne.s32 s25, $0x0  }
0x6b: {  	s25 =	sshrl.u32 s31, $0x19;
	p0 =	por !p1, !p0  }
0x6c: {  	v8 =	vmov s24;
	s24 =	simm.s32 $0x1;
	s3 =	sadd.s32 s25, s3;
	p0 =	por !p0, !p0  }
0x6d: {  	s3 =	sshra.s32 s3, $0x7;
	s24 =	simm.s32 @!p0 $0x0  }
0x6e: {  	s24 =	ssub.s32 s3, s24  }
0x6f: {  	p0 =	slt.s32 s24, $0x1  }
.Ltmp6:
0x70: {  	_ = 	snop;
	(pc) =	sbr.rel @p0 .LBB2_18-.Ltmp6, $4  }
0x71: {  	v8 =	vshll.u32 v8, $0x10  }
0x72: {  	v8 =	vor.u32 v5, v8  }
0x73: {  	v7 =	vor.u32 v8, v7  }
0x74: {  	[tilespmem:s0+$0x6C00] =	vst.msk vm0, v7  }
0x75: {  	v7 =	vmov s23;
	s25 =	simm.s32 $0x0;
	s26 =	simm.s32 $0x0;
	s28 =	simm.s32 $0x0  }
.LBB2_11:
0x76: {  	s29 =	sshll.u32 s28, $0x7  }
0x77: {  	s0 =	sadd.s32 $0x0, s29  }
0x78: {  	v8 =	vmov s0;
	p0 =	slt.s32 s0, s23  }
0x79: {  	v8 =	vpsel !p0, $0x0, v8;
	_ =	sdelay $0x4  }
0x7a: {  	v8 =	vld.idx.msk [tilespmem:v8+s11+$0x0], $0xffff;
	_ =	sdelay $0x2  }
0x7b: {  	s3 =	sand.u32 $0x10, s25  }
0x7c: {  	v9 =	vmov s3  }
0x7d: {  	v9 =	vmul.u32 $0x6C000, v9;
	v8 =	vshra.s32 v8, $0xB  }
0x7e: {  	v8 =	vand.u32 $0xFFFFFFE0, v8  }
0x7f: {  	s3 =	sadd.s32 $0x0, s29;
	v9 =	vbroadcast v9, $0x0;
	v8 =	vor.u32 v0, v8  }
0x80: {  	v10 =	vmov s3;
	p1 =	slt.s32 s3, s23;
	vm0 =	vgt.s32 v8, $0x6BFFF  }
0x81: {  	v10 =	vpsel !p1, $0x0, v10;
	v8 =	vadd.s32 v8, v9;
	v11 =	vsel vm0, $0xD14000, v1  }
0x82: {  	v8 =	vadd.s32 v11, v8  }
0x83: {  	p0 =	por p0, p0;
	v8 =	vadd.s32 v6, v8  }
0x84: {  	s30 =	simm.s32 $0xE300;
	v8 =	vpsel !p0, $0xFFFFFFFF, v8  }
0x85: {  	[tilespmem:s30+$0x0] =	vst v8  }
0x86: {  	v8 =	vld.idx.msk [tilespmem:v10+s11+$0x0], $0xffff;
	_ =	sdelay $0x1  }
0x87: {  	s31 =	simm.s32 $0x10  }
0x88: {  	s3 =	sand.u32 $0x10, s31  }
0x89: {  	v9 =	vmov s3  }
0x8a: {  	v10 =	vshra.s32 v8, $0xB;
	v8 =	vmul.u32 $0x6C000, v9  }
0x8b: {  	s0 =	simm.s32 $0x3;
	s3 =	simm.s32 $0x1;
	p0 =	por p1, p1;
	v9 =	vand.u32 $0xFFFFFFE0, v10  }
.LBB2_12:
0x8c: {  	p1 =	sne.s32 s0, $0xFF;
	s3 =	sadd.s32 s29, s3;
	v9 =	vor.u32 v0, v9;
	v8 =	vbroadcast v8, $0x0  }
0x8d: {  	v10 =	vmov s3;
	p2 =	slt.s32 s3, s23;
	vm0 =	vgt.s32 v9, $0x6BFFF  }
0x8e: {  	v10 =	vpsel !p2, $0x0, v10;
	v11 =	vsel vm0, $0xD14000, v1;
	v8 =	vadd.s32 v9, v8  }
0x8f: {  	v8 =	vadd.s32 v11, v8  }
0x90: {  	v8 =	vadd.s32 v6, v8  }
0x91: {  	s30 =	sadd.s32 $0x10, s30;
	v8 =	vpsel !p0, $0xFFFFFFFF, v8;
	p0 =	por p2, p2  }
0x92: {  	[tilespmem:s30+$0x0] =	vst v8  }
0x93: {  	v8 =	vld.idx.msk [tilespmem:v10+s11+$0x0], $0xffff;
	_ =	sdelay $0x2  }
.Ltmp7:
0x94: {  	s31 =	sadd.s32 $0x10, s31;
	(pc) =	sbr.rel @p1 .LBB2_12-.Ltmp7, $4  }
0x95: {  	s3 =	sand.u32 $0x10, s31  }
0x96: {  	v9 =	vmov s3  }
0x97: {  	v10 =	vshra.s32 v8, $0xB;
	v8 =	vmul.u32 $0x6C000, v9  }
0x98: {  	s3 =	sshrl.u32 s0, $0x1;
	s0 =	sadd.s32 $0x1, s0;
	v9 =	vand.u32 $0xFFFFFFE0, v10  }
0x99: {  	s0 =	sadd.s32 s29, s3;
	v9 =	vor.u32 v0, v9;
	v8 =	vbroadcast v8, $0x0  }
0x9a: {  	v10 =	vmov s0;
	p1 =	slt.s32 s0, s23;
	vm0 =	vgt.s32 v9, $0x6BFFF  }
0x9b: {  	v10 =	vpsel !p1, $0x0, v10;
	v11 =	vsel vm0, $0xD14000, v1;
	v8 =	vadd.s32 v9, v8  }
0x9c: {  	v8 =	vadd.s32 v11, v8  }
0x9d: {  	v8 =	vadd.s32 v6, v8  }
0x9e: {  	s0 =	sadd.s32 $0x10, s30;
	v8 =	vpsel !p0, $0xFFFFFFFF, v8  }
0x9f: {  	[tilespmem:s0+$0x0] =	vst v8  }
0xa0: {  	v8 =	vld.idx.msk [tilespmem:v10+s11+$0x0], $0xffff;
	_ =	sdelay $0x1  }
0xa1: {  	s3 =	sadd.s32 $0x10, s31  }
0xa2: {  	s3 =	sand.u32 $0x10, s3  }
0xa3: {  	v9 =	vmov s3  }
0xa4: {  	v9 =	vmul.u32 $0x6C000, v9;
	v8 =	vshra.s32 v8, $0xB  }
0xa5: {  	v8 =	vand.u32 $0xFFFFFFE0, v8  }
0xa6: {  	v9 =	vbroadcast v9, $0x0;
	v10 =	vor.u32 s26, v3;
	v8 =	vor.u32 v0, v8  }
0xa7: {  	vm1 =	vlt.s32 v10, v7;
	vm0 =	vgt.s32 v8, $0x6BFFF  }
0xa8: {  	v8 =	vadd.s32 v8, v9;
	v9 =	vnsel vm1, $0x0, v10;
	v11 =	vsel vm0, $0xD14000, v1  }
0xa9: {  	v8 =	vadd.s32 v11, v8  }
0xaa: {  	p6 =	por p1, p1;
	v8 =	vadd.s32 v6, v8  }
0xab: {  	s0 =	sadd.s32 $0x10, s0;
	v8 =	vpsel !p6, $0xFFFFFFFF, v8  }
0xac: {  	[tilespmem:s0+$0x0] =	vst v8  }
0xad: {  	v10 =	vld.idx.msk [tilespmem:v9+s11+$0x0], $0xffff;
	_ =	sdelay $0x3  }
0xae: {  	s31 =	sadd.s32 $0x10, s26;
	vm0 =	vmmov vm1  }
0xaf: {  	s29 =	simm.s32 $0x40;
	s30 =	simm.s32 $0x0;
	v8 =	vor.u32 s31, v3;
	s0 =	simm.s32 $0x80;
	v9 =	vshra.s32 v10, $0xB;
	v10 =	vand.u32 $0xFFFF, v10  }
.LBB2_14:
0xb0: {  	p0 =	sne.s32 s0, $0x1C0;
	vm1 =	vlt.s32 v8, v7;
	v9 =	vand.u32 $0xFFFFFFE0, v9;
	v10 =	vadd.s32 $0xFFFFFFFF, v10  }
0xb1: {  	v8 =	vnsel vm1, $0x0, v8;
	v9 =	vor.u32 v0, v9;
	v10 =	vnsel vm0, $0x0, v10  }
0xb2: {  	s3 =	sshra.s32 s30, $0x2;
	s30 =	smov.u32 s29;
	s29 =	smov.u32 s0;
	v11 =	vshra.s32 v10, $0x2;
	v10 =	vshll.u32 v10, $0x5;
	v9 =	vnsel vm0, $0xFFFFFFFF, v9  }
0xb3: {  	vm0 =	vmmov vm1;
	[tilespmem:s3+$0xE200] =	vst v11;
	v10 =	vand.u32 $0x60, v10  }
0xb4: {  	[tilespmem:s3+$0xE280] =	vst v10  }
0xb5: {  	[tilespmem:s3+$0x14300] =	vst v9  }
0xb6: {  	v10 =	vld.idx.msk [tilespmem:v8+s11+$0x0], $0xffff;
	_ =	sdelay $0x1  }
.Ltmp8:
0xb7: {  	(pc) =	sbr.rel @p0 .LBB2_14-.Ltmp8, $3  }
0xb8: {  	_ =	sdelay $0x1  }
0xb9: {  	s31 =	sadd.s32 $0x10, s31  }
0xba: {  	s0 =	sadd.s32 $0x40, s0;
	v8 =	vor.u32 s31, v3;
	v9 =	vshra.s32 v10, $0xB;
	v10 =	vand.u32 $0xFFFF, v10  }
0xbb: {  	vm1 =	vlt.s32 v8, v7;
	v10 =	vadd.s32 $0xFFFFFFFF, v10  }
0xbc: {  	v9 =	vand.u32 $0xFFFFFFE0, v9;
	v8 =	vnsel vm1, $0x0, v8;
	v10 =	vnsel vm0, $0x0, v10  }
0xbd: {  	s0 =	sshra.s32 s30, $0x2;
	v9 =	vor.u32 v0, v9;
	v11 =	vshra.s32 v10, $0x2  }
0xbe: {  	v10 =	vshll.u32 v10, $0x5;
	v9 =	vnsel vm0, $0xFFFFFFFF, v9;
	[tilespmem:s0+$0xE200] =	vst v11  }
0xbf: {  	v10 =	vand.u32 $0x60, v10;
	[tilespmem:s0+$0x14300] =	vst v9  }
0xc0: {  	[tilespmem:s0+$0xE280] =	vst v10  }
0xc1: {  	v8 =	vld.idx.msk [tilespmem:v8+s11+$0x0], $0xffff;
	_ =	sdelay $0x4  }
0xc2: {  	v9 =	vand.u32 $0xFFFF, v8  }
0xc3: {  	vm15 =	vmmov vm1;
	v8 =	vshra.s32 v8, $0xB;
	v9 =	vadd.s32 $0xFFFFFFFF, v9  }
0xc4: {  	v8 =	vand.u32 $0xFFFFFFE0, v8;
	v9 =	vnsel vm15, $0x0, v9  }
0xc5: {  	s31 =	sshra.s32 s29, $0x2;
	v8 =	vor.u32 v0, v8;
	v10 =	vshra.s32 v9, $0x2  }
0xc6: {  	v9 =	vshll.u32 v9, $0x5;
	v8 =	vnsel vm15, $0xFFFFFFFF, v8;
	[tilespmem:s31+$0xE200] =	vst v10  }
0xc7: {  	s3 =	simm.s32 $0x0;
	v9 =	vand.u32 $0x60, v9;
	[tilespmem:s31+$0x14300] =	vst v8  }
0xc8: {  	v8 =	vmov s3;
	[tilespmem:s31+$0xE280] =	vst v9  }
0xc9: {  	[tilespmem:s14], [sflag:$0x1] =	stream.indirect.gather [hbm4b:s5+s12], $0x80, s13, s12, $0xb8;
	[tilespmem:$0x14400] =	vst v63  }
0xca: {  	_ =	swait.ge [sflag:s10], $0x4000  }
0xcb: {  	[sflag:s10] =	ssyncset.done $0x0  }
0xcc: {  	[sflag:s10] =	ssyncadd.s32 $0xFFFFC000  }
0xcd: {  	v9 =	vld.idx.msk [tilespmem:v8+s15+$0x0], $0xffff;
	_ =	sdelay $0x2  }
0xce: {  	s31 =	simm.s32 $0x0  }
0xcf: {  	s0 =	sand.u32 $0x10, s31  }
0xd0: {  	v9 =	vadd.s32 s0, v9  }
0xd1: {  	v9 =	vadd.s32 v3, v9  }
0xd2: {  	v8 =	vshll.u32 v8, $0x7;
	v10 =	vand.u32 $0xFFFFFF80, v9  }
0xd3: {  	v9 =	vand.u32 $0x7F, v9;
	v8 =	vadd.s32 v8, v10  }
0xd4: {  	v8 =	vor.u32 v9, v8;
	_ =	sdelay $0x4  }
0xd5: {  	s3 =	simm.s32 $0x0;
	v8 =	vld.idx.msk [tilespmem:v8+s14+$0x0], $0xffff  }
0xd6: {  	v9 =	vmov s3;
	_ =	sdelay $0x2  }
0xd7: {  	s29 =	simm.s32 $0x13300  }
0xd8: {  	[tilespmem:s29+$0x0] =	vst v8  }
0xd9: {  	v8 =	vld.idx.msk [tilespmem:v9+s15+$0x0], $0xffff;
	_ =	sdelay $0x2  }
0xda: {  	s30 =	simm.s32 $0x10  }
0xdb: {  	s31 =	sand.u32 $0x10, s30  }
0xdc: {  	v8 =	vadd.s32 s31, v8  }
0xdd: {  	v8 =	vadd.s32 v3, v8  }
0xde: {  	v9 =	vshll.u32 v9, $0x7;
	v10 =	vand.u32 $0xFFFFFF80, v8  }
0xdf: {  	v8 =	vand.u32 $0x7F, v8;
	v9 =	vadd.s32 v9, v10  }
0xe0: {  	v8 =	vor.u32 v8, v9;
	_ =	sdelay $0x4  }
0xe1: {  	s0 =	simm.s32 $0x3;
	s3 =	simm.s32 $0x1;
	v8 =	vld.idx.msk [tilespmem:v8+s14+$0x0], $0xffff  }
.LBB2_16:
0xe2: {  	p0 =	sne.s32 s0, $0xFF;
	v9 =	vmov s3;
	_ =	sdelay $0x2  }
0xe3: {  	s29 =	sadd.s32 $0x10, s29  }
0xe4: {  	[tilespmem:s29+$0x0] =	vst v8  }
0xe5: {  	v8 =	vld.idx.msk [tilespmem:v9+s15+$0x0], $0xffff;
	_ =	sdelay $0x3  }
0xe6: {  	s30 =	sadd.s32 $0x10, s30  }
0xe7: {  	s3 =	sand.u32 $0x10, s30  }
0xe8: {  	v8 =	vadd.s32 s3, v8  }
0xe9: {  	v8 =	vadd.s32 v3, v8  }
0xea: {  	v9 =	vshll.u32 v9, $0x7;
	v10 =	vand.u32 $0xFFFFFF80, v8  }
0xeb: {  	v8 =	vand.u32 $0x7F, v8;
	v9 =	vadd.s32 v9, v10  }
0xec: {  	v8 =	vor.u32 v8, v9;
	_ =	sdelay $0x1  }
.Ltmp9:
0xed: {  	(pc) =	sbr.rel @p0 .LBB2_16-.Ltmp9, $3  }
0xee: {  	_ =	sdelay $0x1  }
0xef: {  	v8 =	vld.idx.msk [tilespmem:v8+s14+$0x0], $0xffff  }
0xf0: {  	s3 =	sshrl.u32 s0, $0x1;
	s0 =	sadd.s32 $0x1, s0  }
0xf1: {  	v9 =	vmov s3;
	_ =	sdelay $0x2  }
0xf2: {  	s0 =	sadd.s32 $0x10, s29  }
0xf3: {  	[tilespmem:s0+$0x0] =	vst v8  }
0xf4: {  	v8 =	vld.idx.msk [tilespmem:v9+s15+$0x0], $0xffff;
	_ =	sdelay $0x2  }
0xf5: {  	s31 =	sadd.s32 $0x10, s30  }
0xf6: {  	s3 =	sand.u32 $0x10, s31  }
0xf7: {  	v8 =	vadd.s32 s3, v8  }
0xf8: {  	v8 =	vadd.s32 v3, v8  }
0xf9: {  	v9 =	vshll.u32 v9, $0x7;
	v10 =	vand.u32 $0xFFFFFF80, v8  }
0xfa: {  	v8 =	vand.u32 $0x7F, v8;
	v9 =	vadd.s32 v9, v10  }
0xfb: {  	v8 =	vor.u32 v8, v9;
	_ =	sdelay $0x4  }
0xfc: {  	v8 =	vld.idx.msk [tilespmem:v8+s14+$0x0], $0xffff;
	_ =	sdelay $0x3  }
0xfd: {  	s0 =	sadd.s32 $0x10, s0  }
0xfe: {  	[tilespmem:s0+$0x0] =	vst v8;
	(ifvalue) =	ssetifvalue $0xFFFFFFFF  }
0xff: {  	(ifvalue) =	ssetifvalue $0xFFFFFFFF  }
0x100: {  	[hbm4b:s6+s16] =	stream.indirect.scatter [tilespmem:s18], [sflag:$0x2], $0x1, s17, s16, $0x40b8;
	[tilespmem:$0x14400] =	vst v63  }
0x101: {  	_ =	swait.ge [sflag:s19], $0x1000  }
0x102: {  	[sflag:s19] =	ssyncset.done $0x0  }
0x103: {  	s28 =	sadd.s32 $0x1, s28;
	[sflag:s19] =	ssyncadd.s32 $0xFFFFF000;
	(ifvalue) =	ssetifvalue $0xFFFFFFFF  }
0x104: {  	p0 =	sne.s32 s28, s24;
	(ifvalue) =	ssetifvalue $0xFFFFFFFF  }
0x105: {  	[hbm4b:s1+s12] =	stream.indirect.scatter [tilespmem:s21], [sflag:$0x2], $0x1, s20, s12, $0x40b8;
	[tilespmem:$0x14400] =	vst v63  }
.Ltmp10:
0x106: {  	_ = 	snop;
	(pc) =	sbr.rel @p0 .LBB2_11-.Ltmp10, $4  }
.Ltmp11:
0x107: {  	_ = 	snop;
	(pc) =	sbr.rel @!p0 .LBB2_18-.Ltmp11, $4  }
0x108: {  	_ =	swait.ge [sflag:s19], $0x80  }
0x109: {  	[sflag:s19] =	ssyncset.done $0x0  }
0x10a: {  	s26 =	sadd.s32 $0x80, s26;
	[sflag:s19] =	ssyncadd.s32 $0xFFFFFF80  }
0x10b: {  	_ = 	snop  }
.LBB2_19:
0x10c: {  	_ =	sfence.sel $0x180000  }
0x10d: {  	[bflag:$0x0] =	sbarrier.arrive $0xFFFF  }
0x10e: {  	_ =	strace $0x9000004A  }
0x10f: {  	s0 =	stileid.u32;
	[bflag:$0x2] =	sbarrier.arrive $0xFFFF  }
0x110: {  	p0 =	sne.s32 s0, $0x0;
	s0 =	rddreg [dreg:$0x2]  }
0x111: {  	s0 =	sadd.s32 @!p0 $0x100000, s0  }
0x112: {  	[sflag:s0] =	ssyncadd.tile.s32 @!p0 $0x1;
	_ =	shalt  }
.Lfunc_end2:
_tile_overlayer_lowered:
.L_overlay_start_2:
0x113: {  	(tag) =	ssettag $0x2  }
0x114: {  	s0 =	rddreg [dreg:$0x0];
	s2 =	stileid.u32  }
0x115: {  	s1 =	rddreg [dreg:$0x1];
	p0 =	sne.s32 s2, $0x0  }
0x116: {  	s3 =	rddreg [dreg:$0x2];
	[bflag:$0x3] =	sbarrier.arrive $0xFFFF;
	s2 =	simm.s32 @!p0 $0x1C03  }
0x117: {  	[timem:s3], [sflag:s2] =	dma.local @!p0 [hbm:s0], s1  }
0x118: {  	s0 =	simm.s32 @!p0 $0x3  }
0x119: {  	_ =	swait.ge @!p0 [sflag:s0], s1  }
0x11a: {  	s1 =	ssub.s32 @!p0 $0x0, s1;
	[sflag:s0] =	ssyncset.done @!p0 $0x0  }
0x11b: {  	[sflag:s0] =	ssyncadd.s32 @!p0 s1  }
0x11c: {  	[bflag:$0x3] =	sbarrier.arrive $0xFFFF  }
0x11d: {  	_ =	shalt  }

// kernel: sparse-core-data-format-call.1.cloned.1.call-start
scs
called_computation.1_lowered:
.L_overlay_start_0:
0x0: {  	s2 =	sld [smem:$0x3FD9]  }
0x1: {  	s3 =	sld [smem:$0x3FFE];
	_ =	sdelay $0x1  }
0x2: {  	s1 =	srdreg.scid  }
0x3: {  	s0 =	sand.u32 $0x1, s1  }
0x4: {  	s15 =	sshll.u32 s0, $0xA;
	s2 =	sadd.s32 s3, s2  }
0x5: {  	s2 =	sadd.s32 s2, s15  }
0x6: {  	[smem:$0x3FC4] =	sst s2  }
0x7: {  	_ = 	snop  }
0x8: {  	s2 =	sld [smem:$0x3FD0];
	_ =	sdelay $0x2  }
0x9: {  	s16 =	simm.s32 $0xA;
	s4 =	simm.s32 $0x10  }
0xa: {  	[smem:s4], [sflag:s16] =	dma.local [hbm:s2], $0x1  }
0xb: {  	_ =	swait.eq [sflag:s16], $0x1  }
0xc: {  	[sflag:s16] =	ssyncset.done $0x0  }
0xd: {  	[sflag:s16] =	ssyncadd.s32 $0xFFFFFFFF  }
0xe: {  	s17 =	sld [smem:$0x10];
	(tm) =	ssettm $0x1  }
0xf: {  	s18 =	sld [smem:$0x3FFB];
	_ =	sdelay $0x3  }
0x10: {  	_ =	strace s18  }
0x11: {  	s3 =	sld [smem:$0x3FFC];
	_ =	sdelay $0x3  }
0x12: {  	_ =	strace s3  }
0x13: {  	s3 =	sld [smem:$0x3FFD];
	_ =	sdelay $0x3  }
0x14: {  	_ =	strace s3  }
0x15: {  	_ =	strace $0x8FFFFFFF  }
0x16: {  	s19 =	sld [smem:$0x3FDB];
	_ =	sdelay $0x1  }
0x17: {  	s20 =	simm.s32 $_scs_section_size  }
0x18: {  	s5 =	simm.s32 $_size__tile_overlayer_lowered;
	s6 =	simm.s32 $_tile_overlayer_lowered  }
0x19: {  	s23 =	simm.s32 $0x1BFF;
	s22 =	sshll.u32 s6, $0x1;
	s3 =	sadd.s32 s20, s19  }
0x1a: {  	s7 =	simm.s32 $0x0;
	s21 =	sshll.u32 s5, $0x1;
	s5 =	sadd.s32 s22, s3  }
0x1b: {  	[timem:s7], [sflag:s23] =	dma.local [hbm:s5], s21  }
0x1c: {  	_ =	swait.ge [sflag:s23], s21  }
0x1d: {  	s4 =	ssub.s32 $0x0, s21;
	[sflag:s23] =	ssyncset.done $0x0  }
0x1e: {  	[sflag:s23] =	ssyncadd.s32 s4;
	_ =	sdelay $0x1  }
0x1f: {  	s24 =	simm.s32 $0x1B8B  }
0x20: {  	_ =	swait.ge [sflag:s24], $0x1  }
0x21: {  	[sflag:s24] =	ssyncset.done $0x0  }
0x22: {  	s26 =	simm.s32 $0x1B8E;
	s25 =	sld [smem:$0x3FFE];
	[sflag:s24] =	ssyncadd.s32 $0xFFFFFFFF  }
0x23: {  	s27 =	simm.s32 $execute0_lowered;
	[smem:$0x3FD2] =	sst s26  }
0x24: {  	s5 =	sshll.u32 s27, $0x1;
	_ =	strace $0x80000046;
	[dreg:$0x1] =	wrdreg $0xFFFFFFFF  }
0x25: {  	s28 =	simm.s32 $_size_execute0_lowered;
	s3 =	sadd.s32 s3, s5;
	[dreg:$0x0] =	wrdreg $0x0  }
0x26: {  	s5 =	sshll.u32 s28, $0x1;
	[dreg:$0x2] =	wrdreg s3  }
0x27: {  	[dreg:$0x3] =	wrdreg s5  }
0x28: {  	[dreg:$0x4] =	wrdreg $0xC0  }
0x29: {  	_ =	task [dreg:s7], $0x5FFFF  }
0x2a: {  	[dreg:$0x1] =	wrdreg $0xFFFFFFFF  }
0x2b: {  	[dreg:$0x0] =	wrdreg $0x60  }
0x2c: {  	[dreg:$0x2] =	wrdreg s17  }
0x2d: {  	[dreg:$0x3] =	wrdreg s25  }
0x2e: {  	[dreg:$0x4] =	wrdreg $0x9  }
0x2f: {  	_ =	task.clear_ibuf [dreg:s7], $0x5FFFF;
	_ =	strace $0x90000046  }
0x30: {  	s29 =	simm.s32 $0x9;
	_ =	strace $0x80000048  }
0x31: {  	_ =	swait.ge [sflag:s29], $0x1  }
0x32: {  	[sflag:s29] =	ssyncadd.s32 $0xFFFFFFFF  }
0x33: {  	_ =	strace $0x90000048  }
0x34: {  	_ =	sfence  }
0x35: {  	s30 =	sld [smem:$0x0];
	_ =	sdelay $0x2  }
0x36: {  	s31 =	sshll.u32 s1, $0xD;
	s1 =	sshrl.u32 s1, $0x2  }
0x37: {  	s3 =	sand.u32 $0x4000, s31;
	s1 =	sadd.s32 s1, s30  }
0x38: {  	s0 =	sor.u32 s3, s0;
	s1 =	sshll.u32 s1, $0x11  }
0x39: {  	s0 =	sor.u32 s1, s0  }
0x3a: {  	s0 =	sadd.s32 $0x8F2B, s0  }
0x3b: {  	[sflag:s0] =	ssyncadd.remote.s32 $0x1  }
0x3c: {  	_ =	sfence.sel $0xFFFF  }
0x3d: {  	[dreg:$0x0] =	wrdreg $0xFFFFFFFF;
	(pc) =	sbr.abs _section_cstart, $3  }
0x3e: {  	[dreg:$0x1] =	wrdreg $0xFFFFFFFF  }
0x3f: {  	_ =	task.clear_ibuf [dreg:s7], $0x2FFFF;
	_ =	strace $0x9FFFFFFF  }
0x40: {  	(tm) =	ssettm $0x7FFFFFFF  }
0x41: {  	_ =	shalt  }
tec
execute0_lowered:
.L_overlay_start_1:
0x0: {  	(tag) =	ssettag $0x1  }
0x1: {  	s0 =	srdreg.scid  }
0x2: {  	s1 =	sshll.u32 s0, $0x4  }
0x3: {  	s2 =	rddreg [dreg:$0x0];
	s0 =	stileid.u32;
	s1 =	sand.u32 $0x10, s1  }
0x4: {  	s4 =	rddreg [dreg:$0x1];
	s7 =	simm.s32 $0x1;
	s1 =	sor.u32 s0, s1  }
0x5: {  	s8 =	simm.s32 $0x2;
	s9 =	simm.s32 $0x0;
	s3 =	sshll.u32 s1, $0x1  }
0x6: {  	s12 =	simm.s32 $0x0;
	s11 =	simm.s32 $0x0;
	s6 =	ssub.s32 $0xD80, s3  }
.Ltmp0:
0x7: {  	s4 =	sadd.s32 $0x2400, s4;
	s5 =	sand.u32 $0x3E, s6;
	(pc) =	sbr.rel .LBB1_1-.Ltmp0, $4  }
0x8: {  	s1 =	rddreg [dreg:$0x2];
	_ =	strace $0x80000047;
	p0 =	sne.s32 s5, $0x0  }
0x9: {  	s6 =	sshrl.u32 s6, $0x6;
	s5 =	simm.s32 $0x1;
	s7 =	simm.s32 @!p0 $0x0  }
0xa: {  	s10 =	smov.u32 s3;
	[sflag:s5] =	ssyncpa.u1 $0x0;
	s6 =	sadd.s32 s7, s6  }
0xb: {  	[sflag:s8] =	ssyncpa.u1 $0x0;
	s8 =	simm.s32 $0x0;
	s7 =	sadd.s32 $0x1, s6  }
.LBB1_9:
0xc: {  	s14 =	sadd.s32 $0x40, s10  }
0xd: {  	p1 =	sgt.s32 s14, $0xD7F  }
0xe: {  	s14 =	smov.u32 @p1 s3;
	p1 =	sne.s32 s11, s7  }
.Ltmp1:
0xf: {  	p0 =	slt.u32 s11, $0x2;
	(pc) =	sbr.rel @!p1 .LBB1_10-.Ltmp1, $4  }
0x10: {  	s13 =	simm.s32 @!p0 $0x2  }
0x11: {  	s15 =	sadd.s32 $0x1, s11;
	_ =	swait.ge @!p0 [sflag:s13], $0x4000  }
0x12: {  	s12 =	smov.u32 s10;
	s9 =	sadd.s32 $0x4000, s9;
	[sflag:s13] =	ssyncset.done @!p0 $0x0  }
0x13: {  	s11 =	smov.u32 s15;
	s10 =	smov.u32 s14;
	[sflag:s13] =	ssyncadd.s32 @!p0 $0xFFFFC000  }
.LBB1_1:
0x14: {  	p0 =	sge.u32 s11, s6  }
0x15: {  	s13 =	sxor.u32 @!p0 $0xFFFFFFFF, s11  }
0x16: {  	s31 =	sadd.s32 $0xFFFFFFFF, s11;
	s14 =	sshll.u32 @!p0 s10, $0xA;
	s13 =	sshll.u32 @!p0 s13, $0xE  }
0x17: {  	s15 =	simm.s32 @!p0 $0x0;
	s14 =	sadd.s32 @!p0 s2, s14;
	s13 =	sand.u32 @!p0 $0x4000, s13  }
0x18: {  	[tilespmem:s13], [sflag:$0x1] =	stream.linear.gather @!p0 [hbm4b:s14+s15], $0x4000, $0x38;
	[tilespmem:$0x10000] =	vst v63  }
0x19: {  	p0 =	sge.u32 s31, s6  }
.Ltmp2:
0x1a: {  	_ = 	snop;
	(pc) =	sbr.rel @p0 .LBB1_9-.Ltmp2, $1  }
0x1b: {  	_ =	sdelay $0x3  }
0x1c: {  	s13 =	sshll.u32 s9, $0x2  }
0x1d: {  	_ =	swait.ge [sflag:s5], $0x4000;
	s14 =	sshll.u32 s11, $0xE;
	s16 =	simm.s32 $0x0  }
0x1e: {  	p1 =	por $0x1, $0x1;
	s13 =	sand.u32 $0x10000, s13;
	[sflag:s5] =	ssyncset.done $0x0  }
0x1f: {  	s14 =	sand.u32 $0x4000, s14;
	s15 =	sshrl.u32 s13, $0x2;
	[sflag:s5] =	ssyncadd.s32 $0xFFFFC000  }
0x20: {  	s13 =	sor.u32 $0x8000, s14;
	s14 =	sadd.s32 $0x8040, s15;
	s15 =	sadd.s32 $0x40, s15  }
.LBB1_3:
0x21: {  	s16 =	sshll.u32 s16, $0x2  }
0x22: {  	p0 =	por p1, p1;
	s17 =	sshra.s32 s16, $0x2  }
0x23: {  	s18 =	simm.s32 $0x0;
	s16 =	sadd.s32 s17, s14;
	s17 =	sadd.s32 s17, s15  }
.LBB1_4:
0x24: {  	v0 =	vmov s17;
	_ =	sdelay $0x3  }
0x25: {  	s20 =	simm.s32 $0x0  }
0x26: {  	v6 =	vld.idx.msk [tilespmem:v0+s20+$0x30 ss:$0x1], $0xffff  }
0x27: {  	v7 =	vld.idx.msk [tilespmem:v0+s20+$0xFFFFFFC0 ss:$0x1], $0xffff  }
0x28: {  	v5 =	vld.idx.msk [tilespmem:v0+s20+$0xFFFFFFD0 ss:$0x1], $0xffff  }
0x29: {  	v4 =	vld.idx.msk [tilespmem:v0+s20+$0xFFFFFFE0 ss:$0x1], $0xffff  }
0x2a: {  	v3 =	vld.idx.msk [tilespmem:v0+s20+$0xFFFFFFF0 ss:$0x1], $0xffff  }
0x2b: {  	v1 =	vld.idx.msk [tilespmem:v0+s20+$0x0 ss:$0x1], $0xffff  }
0x2c: {  	v2 =	vld.idx.msk [tilespmem:v0+s20+$0x10 ss:$0x1], $0xffff;
	[tilespmem:s16+$0x30] =	vst v6  }
0x2d: {  	s19 =	simm.s32 $0x80;
	s21 =	simm.s32 $0x400;
	[tilespmem:s16+$0xFFFFFFC0] =	vst v7;
	v6 =	vld.idx.msk [tilespmem:v0+s20+$0x20 ss:$0x1], $0xffff;
	s20 =	smov.u32 s16  }
.LBB1_5:
0x2e: {  	p1 =	sne.s32 s21, $0xE00;
	v7 =	vld.idx.msk [tilespmem:v0+s19+$0x30 ss:$0x1], $0xffff;
	[tilespmem:s20+$0xFFFFFFD0] =	vst v5  }
0x2f: {  	v8 =	vld.idx.msk [tilespmem:v0+s19+$0xFFFFFFC0 ss:$0x1], $0xffff;
	[tilespmem:s20+$0xFFFFFFE0] =	vst v4  }
0x30: {  	v5 =	vld.idx.msk [tilespmem:v0+s19+$0xFFFFFFD0 ss:$0x1], $0xffff;
	[tilespmem:s20+$0xFFFFFFF0] =	vst v3  }
.Ltmp3:
0x31: {  	v4 =	vld.idx.msk [tilespmem:v0+s19+$0xFFFFFFE0 ss:$0x1], $0xffff;
	[tilespmem:s20+$0x0] =	vst v1;
	(pc) =	sbr.rel @p1 .LBB1_5-.Ltmp3, $4  }
0x32: {  	v3 =	vld.idx.msk [tilespmem:v0+s19+$0xFFFFFFF0 ss:$0x1], $0xffff;
	[tilespmem:s20+$0x10] =	vst v2  }
0x33: {  	v1 =	vld.idx.msk [tilespmem:v0+s19+$0x0 ss:$0x1], $0xffff;
	[tilespmem:s20+$0x20] =	vst v6;
	s20 =	sadd.s32 $0x400, s20  }
0x34: {  	v2 =	vld.idx.msk [tilespmem:v0+s19+$0x10 ss:$0x1], $0xffff;
	[tilespmem:s20+$0x30] =	vst v7  }
0x35: {  	[tilespmem:s20+$0xFFFFFFC0] =	vst v8;
	v6 =	vld.idx.msk [tilespmem:v0+s19+$0x20 ss:$0x1], $0xffff;
	s19 =	sshra.s32 s21, $0x2;
	s21 =	sadd.s32 $0x200, s21  }
0x36: {  	_ =	sdelay $0x2  }
0x37: {  	[tilespmem:s20+$0xFFFFFFD0] =	vst v5  }
0x38: {  	v56 =	vld.idx.msk [tilespmem:v0+s19+$0x30 ss:$0x1], $0xffff;
	[tilespmem:s20+$0xFFFFFFE0] =	vst v4  }
0x39: {  	v57 =	vld.idx.msk [tilespmem:v0+s19+$0xFFFFFFC0 ss:$0x1], $0xffff;
	[tilespmem:s20+$0xFFFFFFF0] =	vst v3  }
0x3a: {  	v58 =	vld.idx.msk [tilespmem:v0+s19+$0xFFFFFFD0 ss:$0x1], $0xffff;
	[tilespmem:s20+$0x0] =	vst v1  }
0x3b: {  	v59 =	vld.idx.msk [tilespmem:v0+s19+$0xFFFFFFE0 ss:$0x1], $0xffff;
	[tilespmem:s20+$0x10] =	vst v2  }
0x3c: {  	v60 =	vld.idx.msk [tilespmem:v0+s19+$0xFFFFFFF0 ss:$0x1], $0xffff;
	s31 =	sadd.s32 $0x400, s20;
	[tilespmem:s20+$0x20] =	vst v6  }
0x3d: {  	v61 =	vld.idx.msk [tilespmem:v0+s19+$0x0 ss:$0x1], $0xffff;
	[tilespmem:s31+$0x30] =	vst v56  }
0x3e: {  	v62 =	vld.idx.msk [tilespmem:v0+s19+$0x10 ss:$0x1], $0xffff;
	s18 =	sadd.s32 $0x1, s18;
	[tilespmem:s31+$0xFFFFFFC0] =	vst v57  }
0x3f: {  	v63 =	vld.idx.msk [tilespmem:v0+s19+$0x20 ss:$0x1], $0xffff;
	p1 =	sne.s32 s18, $0x8;
	[tilespmem:s31+$0xFFFFFFD0] =	vst v58  }
.Ltmp4:
0x40: {  	[tilespmem:s31+$0xFFFFFFE0] =	vst v59;
	(pc) =	sbr.rel @p1 .LBB1_4-.Ltmp4, $4  }
0x41: {  	[tilespmem:s31+$0xFFFFFFF0] =	vst v60  }
0x42: {  	[tilespmem:s31+$0x0] =	vst v61  }
0x43: {  	[tilespmem:s31+$0x10] =	vst v62  }
0x44: {  	s16 =	sadd.s32 $0x80, s16;
	s17 =	sadd.s32 $0x400, s17;
	[tilespmem:s31+$0x20] =	vst v63  }
.Ltmp5:
0x45: {  	(pc) =	sbr.rel @p0 .LBB1_3-.Ltmp5, $2  }
0x46: {  	_ =	sdelay $0x2  }
0x47: {  	s16 =	simm.s32 $0x2000;
	p1 =	por $0x0, $0x0  }
.Ltmp6:
0x48: {  	(pc) =	sbr.rel .LBB1_9-.Ltmp6, $4  }
0x49: {  	_ = 	snop  }
0x4a: {  	s12 =	sshll.u32 s12, $0xA  }
0x4b: {  	s12 =	sadd.s32 s4, s12  }
0x4c: {  	[hbm4b:s12+s8] =	stream.linear.scatter [tilespmem:s13], [sflag:$0x2], $0x4000, $0x38;
	[tilespmem:$0x10000] =	vst v63  }
.LBB1_10:
0x4d: {  	_ =	sfence.sel $0x180000  }
0x4e: {  	s2 =	simm.s32 $0x1;
	[bflag:$0x0] =	sbarrier.arrive $0xFFFF  }
0x4f: {  	s31 =	simm.s32 $0x2;
	[sflag:s2] =	ssyncpa.u1 $0x1  }
0x50: {  	[sflag:s31] =	ssyncpa.u1 $0x1  }
0x51: {  	p0 =	sne.s32 s0, $0x0;
	_ =	strace $0x90000047  }
0x52: {  	s0 =	sadd.s32 @!p0 $0x100000, s1;
	[bflag:$0x2] =	sbarrier.arrive $0xFFFF  }
0x53: {  	[sflag:s0] =	ssyncadd.tile.s32 @!p0 $0x1;
	_ =	shalt  }
.Lfunc_end1:
_tile_overlayer_lowered:
.L_overlay_start_2:
0x54: {  	(tag) =	ssettag $0x2  }
0x55: {  	s0 =	rddreg [dreg:$0x0];
	s2 =	stileid.u32  }
0x56: {  	s1 =	rddreg [dreg:$0x1];
	p0 =	sne.s32 s2, $0x0  }
0x57: {  	s3 =	rddreg [dreg:$0x2];
	[bflag:$0x3] =	sbarrier.arrive $0xFFFF;
	s2 =	simm.s32 @!p0 $0x1C01  }
0x58: {  	[timem:s3], [sflag:s2] =	dma.local @!p0 [hbm:s0], s1  }
0x59: {  	s0 =	simm.s32 @!p0 $0x1  }
0x5a: {  	_ =	swait.ge @!p0 [sflag:s0], s1  }
0x5b: {  	s1 =	ssub.s32 @!p0 $0x0, s1;
	[sflag:s0] =	ssyncset.done @!p0 $0x0  }
0x5c: {  	[sflag:s0] =	ssyncadd.s32 @!p0 s1  }
0x5d: {  	[bflag:$0x3] =	sbarrier.arrive $0xFFFF  }
0x5e: {  	_ =	shalt  }

// kernel: sparse-core-data-format-call.cloned.1.call-start
scs
called_computation_lowered:
.L_overlay_start_0:
0x0: {  	s2 =	sld [smem:$0x3FD9]  }
0x1: {  	s3 =	sld [smem:$0x3FFE];
	_ =	sdelay $0x1  }
0x2: {  	s1 =	srdreg.scid  }
0x3: {  	s0 =	sand.u32 $0x1, s1  }
0x4: {  	s15 =	sshll.u32 s0, $0xA;
	s2 =	sadd.s32 s3, s2  }
0x5: {  	s2 =	sadd.s32 s2, s15  }
0x6: {  	[smem:$0x3FC4] =	sst s2  }
0x7: {  	_ = 	snop  }
0x8: {  	s2 =	sld [smem:$0x3FD0];
	_ =	sdelay $0x2  }
0x9: {  	s16 =	simm.s32 $0xA;
	s4 =	simm.s32 $0x10  }
0xa: {  	[smem:s4], [sflag:s16] =	dma.local [hbm:s2], $0x1  }
0xb: {  	_ =	swait.eq [sflag:s16], $0x1  }
0xc: {  	[sflag:s16] =	ssyncset.done $0x0  }
0xd: {  	[sflag:s16] =	ssyncadd.s32 $0xFFFFFFFF  }
0xe: {  	s17 =	sld [smem:$0x10];
	(tm) =	ssettm $0x1  }
0xf: {  	s18 =	sld [smem:$0x3FFB];
	_ =	sdelay $0x3  }
0x10: {  	_ =	strace s18  }
0x11: {  	s3 =	sld [smem:$0x3FFC];
	_ =	sdelay $0x3  }
0x12: {  	_ =	strace s3  }
0x13: {  	s3 =	sld [smem:$0x3FFD];
	_ =	sdelay $0x3  }
0x14: {  	_ =	strace s3  }
0x15: {  	_ =	strace $0x8FFFFFFF  }
0x16: {  	s19 =	sld [smem:$0x3FDB];
	_ =	sdelay $0x1  }
0x17: {  	s20 =	simm.s32 $_scs_section_size  }
0x18: {  	s5 =	simm.s32 $_size__tile_overlayer_lowered;
	s6 =	simm.s32 $_tile_overlayer_lowered  }
0x19: {  	s23 =	simm.s32 $0x1BFF;
	s22 =	sshll.u32 s6, $0x1;
	s3 =	sadd.s32 s20, s19  }
0x1a: {  	s7 =	simm.s32 $0x0;
	s21 =	sshll.u32 s5, $0x1;
	s5 =	sadd.s32 s22, s3  }
0x1b: {  	[timem:s7], [sflag:s23] =	dma.local [hbm:s5], s21  }
0x1c: {  	_ =	swait.ge [sflag:s23], s21  }
0x1d: {  	s4 =	ssub.s32 $0x0, s21;
	[sflag:s23] =	ssyncset.done $0x0  }
0x1e: {  	[sflag:s23] =	ssyncadd.s32 s4;
	_ =	sdelay $0x1  }
0x1f: {  	s24 =	simm.s32 $0x1B8B  }
0x20: {  	_ =	swait.ge [sflag:s24], $0x1  }
0x21: {  	[sflag:s24] =	ssyncset.done $0x0  }
0x22: {  	s26 =	simm.s32 $0x1B8E;
	s25 =	sld [smem:$0x3FFE];
	[sflag:s24] =	ssyncadd.s32 $0xFFFFFFFF  }
0x23: {  	s27 =	simm.s32 $execute0_lowered;
	[smem:$0x3FD2] =	sst s26  }
0x24: {  	s5 =	sshll.u32 s27, $0x1;
	_ =	strace $0x8000004C;
	[dreg:$0x1] =	wrdreg $0xFFFFFFFF  }
0x25: {  	s28 =	simm.s32 $_size_execute0_lowered;
	s3 =	sadd.s32 s3, s5;
	[dreg:$0x0] =	wrdreg $0x0  }
0x26: {  	s5 =	sshll.u32 s28, $0x1;
	[dreg:$0x2] =	wrdreg s3  }
0x27: {  	[dreg:$0x3] =	wrdreg s5  }
0x28: {  	[dreg:$0x4] =	wrdreg $0xC0  }
0x29: {  	_ =	task [dreg:s7], $0x5FFFF  }
0x2a: {  	[dreg:$0x1] =	wrdreg $0xFFFFFFFF  }
0x2b: {  	[dreg:$0x0] =	wrdreg $0x60  }
0x2c: {  	[dreg:$0x2] =	wrdreg s25  }
0x2d: {  	[dreg:$0x3] =	wrdreg s17  }
0x2e: {  	[dreg:$0x4] =	wrdreg $0x9  }
0x2f: {  	_ =	task.clear_ibuf [dreg:s7], $0x5FFFF;
	_ =	strace $0x9000004C  }
0x30: {  	s29 =	simm.s32 $0x9;
	_ =	strace $0x8000004E  }
0x31: {  	_ =	swait.ge [sflag:s29], $0x1  }
0x32: {  	[sflag:s29] =	ssyncadd.s32 $0xFFFFFFFF  }
0x33: {  	_ =	strace $0x9000004E  }
0x34: {  	_ =	sfence  }
0x35: {  	s30 =	sld [smem:$0x0];
	_ =	sdelay $0x2  }
0x36: {  	s31 =	sshll.u32 s1, $0xD;
	s1 =	sshrl.u32 s1, $0x2  }
0x37: {  	s3 =	sand.u32 $0x4000, s31;
	s1 =	sadd.s32 s1, s30  }
0x38: {  	s0 =	sor.u32 s3, s0;
	s1 =	sshll.u32 s1, $0x11  }
0x39: {  	s0 =	sor.u32 s1, s0  }
0x3a: {  	s0 =	sadd.s32 $0x8F2B, s0  }
0x3b: {  	[sflag:s0] =	ssyncadd.remote.s32 $0x1  }
0x3c: {  	_ =	sfence.sel $0xFFFF  }
0x3d: {  	[dreg:$0x0] =	wrdreg $0xFFFFFFFF;
	(pc) =	sbr.abs _section_cstart, $3  }
0x3e: {  	[dreg:$0x1] =	wrdreg $0xFFFFFFFF  }
0x3f: {  	_ =	task.clear_ibuf [dreg:s7], $0x2FFFF;
	_ =	strace $0x9FFFFFFF  }
0x40: {  	(tm) =	ssettm $0x7FFFFFFF  }
0x41: {  	_ =	shalt  }
tec
execute0_lowered:
.L_overlay_start_1:
0x0: {  	(tag) =	ssettag $0x1  }
0x1: {  	s6 =	stileid.u32  }
0x2: {  	s0 =	rddreg [dreg:$0x0];
	s4 =	srdreg.scid  }
0x3: {  	_ =	strace $0x8000004D;
	s30 =	simm.s32 $0x1;
	s31 =	simm.s32 $0x2  }
0x4: {  	p0 =	por $0x0, $0x0;
	s17 =	simm.s32 $0x0;
	s2 =	sand.u32 $0x1, s6  }
0x5: {  	s18 =	simm.s32 $0x0;
	s19 =	simm.s32 $0x0;
	s1 =	ssub.s32 $0x2, s2  }
0x6: {  	s10 =	simm.s32 $0x0;
	s11 =	simm.s32 $0x0;
	s3 =	sshll.u32 s1, $0x1  }
0x7: {  	s12 =	simm.s32 $0x0;
	s13 =	simm.s32 $0x0;
	s3 =	sand.u32 $0x2, s3  }
.Ltmp0:
0x8: {  	s5 =	sshll.u32 s4, $0x4;
	s1 =	sadd.s32 s1, s3;
	(pc) =	sbr.rel .LBB1_1-.Ltmp0, $4  }
0x9: {  	s4 =	sadd.s32 $0x362400, s0;
	s29 =	sand.u32 $0x10, s5;
	s1 =	sand.u32 $0x6, s1  }
0xa: {  	[sflag:s30] =	ssyncpa.u1 $0x0;
	s0 =	sor.u32 s6, s29;
	s6 =	smul.u32 $0x60, s1  }
0xb: {  	s16 =	simm.s32 $0x0;
	[sflag:s31] =	ssyncpa.u1 $0x0;
	s7 =	sshrl.u32 s0, $0x1  }
0xc: {  	s15 =	smov.u32 s2;
	s14 =	smov.u32 s7;
	s8 =	sor.u32 $0x1, s6  }
.LBB1_11:
0xd: {  	s1 =	smul.u32 $0x240000, s12  }
0xe: {  	s3 =	smul.u32 $0x12000, s11  }
0xf: {  	s0 =	sand.u32 $0x1, s16;
	s5 =	smul.u32 $0x300, s10;
	s9 =	rddreg [dreg:$0x1]  }
0x10: {  	s0 =	smul.u32 $0x2040, s0;
	s1 =	sadd.s32 s9, s1  }
0x11: {  	s1 =	sadd.s32 s3, s1  }
0x12: {  	s31 =	simm.s32 $0x0;
	s0 =	sor.u32 $0x4000, s0;
	s1 =	sadd.s32 s5, s1  }
0x13: {  	[hbm4b:s1+s31] =	stream.linear.scatter [tilespmem:s0], [sflag:$0x2], s20, $0x20;
	[tilespmem:$0x8080] =	vst v63  }
.LBB1_12:
0x14: {  	p1 =	slt.u32 s16, $0x2;
	s1 =	smov.u32 s19  }
0x15: {  	s5 =	smov.u32 s17;
	p2 =	sgt.s32 @!p1 s19, $0x1;
	s0 =	sshra.s32 @!p1 s19, $0x1F  }
0x16: {  	s3 =	sshra.s32 @!p1 s18, $0x1F;
	p2 =	por !p2, p1;
	s0 =	sand.u32 @!p1 s0, s19  }
0x17: {  	s1 =	simm.s32 @p2 $0x1;
	s0 =	sxor.u32 @!p1 $0xFFFFFFFF, s0;
	p2 =	sgt.s32 @!p1 s18, $0x1F  }
0x18: {  	s0 =	sadd.s32 @!p1 s0, s1;
	p3 =	por !p2, p1;
	s1 =	smov.u32 s18  }
0x19: {  	s9 =	sshra.s32 @!p1 s17, $0x1F;
	s3 =	sand.u32 @!p1 s3, s18;
	s1 =	simm.s32 @p3 $0x1F  }
0x1a: {  	p2 =	sgt.s32 @!p1 s0, $0x0;
	p3 =	sgt.s32 @!p1 s17, $0x5F;
	s1 =	ssub.s32 @!p1 s1, s3  }
0x1b: {  	s0 =	ssub.s32 @!p1 $0x1, s0;
	p3 =	por !p3, p1;
	s3 =	sadd.s32 @!p1 $0xFFFFFFE1, s1  }
0x1c: {  	s5 =	simm.s32 @p3 $0x5F;
	p3 =	sgt.s32 @!p1 s3, $0x0;
	s3 =	sand.u32 @!p1 s9, s17  }
0x1d: {  	s0 =	smul.u32 @!p1 $0x6000, s0;
	p2 =	por !p2, p1;
	s3 =	ssub.s32 @!p1 s5, s3  }
0x1e: {  	s1 =	ssub.s32 @!p1 $0x20, s1;
	p3 =	por !p3, p1;
	s5 =	sadd.s32 @!p1 $0xFFFFFFA1, s3  }
0x1f: {  	s0 =	simm.s32 @!p2 $0x0;
	s1 =	simm.s32 @!p3 $0x0;
	p3 =	sgt.s32 @!p1 s5, $0x0  }
0x20: {  	s3 =	ssub.s32 @!p1 $0x60, s3;
	s0 =	smul.u32 @!p1 s1, s0;
	p2 =	por !p3, p1  }
0x21: {  	s1 =	sadd.s32 $0x1, s13;
	s5 =	smov.u32 s14;
	s3 =	simm.s32 @!p2 $0x0  }
0x22: {  	p2 =	sgt.s32 s1, $0x5F;
	s0 =	smul.u32 @!p1 s3, s0;
	s3 =	sadd.s32 $0x10, s14  }
0x23: {  	s5 =	smov.u32 @p2 s3  }
0x24: {  	s20 =	smov.u32 s15;
	s3 =	sadd.s32 $0x2, s15;
	p3 =	sgt.s32 s5, $0x1F  }
0x25: {  	p0 =	por !p0, !p0;
	s19 =	smov.u32 s12;
	s20 =	smov.u32 @p3 s3  }
0x26: {  	s12 =	smov.u32 s15;
	s1 =	simm.s32 @p2 $0x0;
	p2 =	sgt.s32 s20, $0x1  }
0x27: {  	s18 =	smov.u32 s11;
	s20 =	smov.u32 @p2 s2;
	p2 =	sne.s32 s16, s8  }
.Ltmp1:
0x28: {  	s11 =	smov.u32 s14;
	s9 =	simm.s32 @!p1 $0x2;
	(pc) =	sbr.rel @!p2 .LBB1_13-.Ltmp1, $4  }
0x29: {  	s17 =	smov.u32 s10;
	s10 =	smov.u32 s13;
	s0 =	sshrl.u32 @!p1 s0, $0x2  }
0x2a: {  	s13 =	smov.u32 s1;
	_ =	swait.ge @!p1 [sflag:s9], s0;
	s5 =	smov.u32 @p3 s7  }
0x2b: {  	s0 =	ssub.s32 @!p1 $0x0, s0;
	[sflag:s9] =	ssyncset.done @!p1 $0x0;
	s14 =	smov.u32 s5  }
0x2c: {  	s16 =	sadd.s32 $0x1, s16;
	[sflag:s9] =	ssyncadd.s32 @!p1 s0;
	s15 =	smov.u32 s20  }
.LBB1_1:
0x2d: {  	p1 =	sge.u32 s16, s6;
	s1 =	smov.u32 s15;
	s9 =	smov.u32 s13  }
0x2e: {  	p2 =	sgt.s32 @!p1 s15, $0x1;
	s0 =	sshra.s32 @!p1 s15, $0x1F;
	s3 =	sshra.s32 @!p1 s14, $0x1F  }
0x2f: {  	s20 =	sshra.s32 @!p1 s13, $0x1F;
	p2 =	por !p2, p1;
	s0 =	sand.u32 @!p1 s0, s15  }
0x30: {  	s1 =	simm.s32 @p2 $0x1;
	s0 =	sxor.u32 @!p1 $0xFFFFFFFF, s0;
	p2 =	sgt.s32 @!p1 s14, $0x1F  }
0x31: {  	s0 =	sadd.s32 @!p1 s0, s1;
	p3 =	por !p2, p1;
	s1 =	smov.u32 s14  }
0x32: {  	s3 =	sand.u32 @!p1 s3, s14;
	p2 =	sgt.s32 @!p1 s0, $0x0;
	s1 =	simm.s32 @p3 $0x1F  }
0x33: {  	s0 =	ssub.s32 @!p1 $0x1, s0;
	p3 =	sgt.s32 @!p1 s13, $0x5F;
	s1 =	ssub.s32 @!p1 s1, s3  }
0x34: {  	p3 =	por !p3, p1;
	s0 =	smul.u32 @!p1 $0x6000, s0;
	s3 =	sadd.s32 @!p1 $0xFFFFFFE1, s1  }
0x35: {  	p2 =	por !p2, p1;
	s9 =	simm.s32 @p3 $0x5F;
	p3 =	sgt.s32 @!p1 s3, $0x0  }
0x36: {  	s1 =	ssub.s32 @!p1 $0x20, s1;
	s3 =	sand.u32 @!p1 s20, s13;
	p3 =	por !p3, p1  }
0x37: {  	s0 =	simm.s32 @!p2 $0x0;
	s3 =	ssub.s32 @!p1 s9, s3;
	s1 =	simm.s32 @!p3 $0x0  }
0x38: {  	s9 =	sadd.s32 @!p1 $0xFFFFFFA1, s3;
	s0 =	smul.u32 @!p1 s1, s0  }
0x39: {  	s31 =	sadd.s32 $0xFFFFFFFF, s16;
	p3 =	sgt.s32 @!p1 s9, $0x0;
	s1 =	smul.u32 @!p1 $0x480000, s15  }
0x3a: {  	s3 =	ssub.s32 @!p1 $0x60, s3;
	s9 =	smul.u32 @!p1 $0x24000, s14;
	p2 =	por !p3, p1  }
0x3b: {  	s20 =	smul.u32 @!p1 $0x600, s13;
	s3 =	simm.s32 @!p2 $0x0;
	s1 =	sadd.s32 @!p1 s4, s1  }
0x3c: {  	s0 =	smul.u32 @!p1 s3, s0;
	s3 =	sxor.u32 @!p1 $0xFFFFFFFF, s16;
	s1 =	sadd.s32 @!p1 s9, s1  }
0x3d: {  	s9 =	simm.s32 @!p1 $0x40;
	s3 =	sshll.u32 @!p1 s3, $0xD;
	s1 =	sadd.s32 @!p1 s20, s1  }
0x3e: {  	s20 =	simm.s32 @!p1 $0x80;
	s3 =	sand.u32 @!p1 $0x2000, s3;
	s0 =	sshrl.u32 @!p1 s0, $0x2  }
0x3f: {  	[tilespmem:s3], [sflag:$0x1] =	stream.strided.gather @!p1 [hbm4b:s1+s9], s0, s20, s9, $0x38;
	[tilespmem:$0x8080] =	vst v63  }
0x40: {  	p1 =	sge.u32 s31, s6  }
.Ltmp2:
0x41: {  	_ = 	snop;
	(pc) =	sbr.rel @p1 .LBB1_12-.Ltmp2, $1  }
0x42: {  	_ =	sdelay $0x3  }
0x43: {  	s0 =	sshra.s32 s12, $0x1F  }
0x44: {  	p1 =	sgt.s32 s12, $0x1;
	s1 =	smov.u32 s12;
	p2 =	sgt.s32 s11, $0x1F  }
0x45: {  	s3 =	sshra.s32 s11, $0x1F;
	s9 =	smov.u32 s10;
	s0 =	sand.u32 s0, s12  }
0x46: {  	s20 =	sshra.s32 s10, $0x1F;
	s1 =	simm.s32 @!p1 $0x1;
	s0 =	sxor.u32 $0xFFFFFFFF, s0  }
0x47: {  	s3 =	sand.u32 s3, s11;
	s0 =	sadd.s32 s0, s1;
	s1 =	smov.u32 s11  }
0x48: {  	s29 =	sand.u32 s20, s10;
	p1 =	sgt.s32 s0, $0x0;
	s1 =	simm.s32 @!p2 $0x1F  }
0x49: {  	s0 =	ssub.s32 $0x1, s0;
	p2 =	sgt.s32 s10, $0x5F;
	s1 =	ssub.s32 s1, s3  }
0x4a: {  	s9 =	simm.s32 @!p2 $0x5F;
	s0 =	smul.u32 $0x6000, s0;
	s30 =	sadd.s32 $0xFFFFFFE1, s1  }
0x4b: {  	s3 =	ssub.s32 s9, s29;
	s1 =	ssub.s32 $0x20, s1;
	p2 =	sgt.s32 s30, $0x0  }
0x4c: {  	s9 =	sadd.s32 $0xFFFFFFA1, s3;
	s0 =	simm.s32 @p1 $0x0;
	s1 =	simm.s32 @p2 $0x0  }
0x4d: {  	s3 =	ssub.s32 $0x60, s3;
	s0 =	smul.u32 s1, s0;
	s1 =	sadd.s32 $0x1, s12  }
0x4e: {  	p2 =	sgt.s32 s9, $0x0;
	s9 =	sadd.s32 $0x1, s11;
	p1 =	slt.s32 s1, $0x2  }
0x4f: {  	s3 =	simm.s32 @p2 $0x0;
	s1 =	simm.s32 @!p1 $0x2;
	p1 =	slt.s32 s9, $0x20  }
0x50: {  	s21 =	ssub.s32 s1, s12;
	s9 =	simm.s32 @!p1 $0x20;
	s1 =	sadd.s32 $0x1, s10  }
0x51: {  	s22 =	ssub.s32 s9, s11;
	p1 =	slt.s32 s1, $0x60;
	p2 =	slt.s32 s21, $0x1  }
0x52: {  	s1 =	simm.s32 @!p1 $0x60;
	p1 =	slt.s32 @!p2 s22, $0x1  }
0x53: {  	s23 =	ssub.s32 s1, s10;
	p1 =	por p2, p1  }
0x54: {  	p2 =	slt.s32 @!p1 s23, $0x1  }
0x55: {  	s0 =	smul.u32 s3, s0;
	p1 =	por p1, p2  }
.Ltmp3:
0x56: {  	_ = 	snop;
	(pc) =	sbr.rel @p1 .LBB1_11-.Ltmp3, $4  }
0x57: {  	s31 =	simm.s32 $0x1;
	s20 =	sshrl.u32 s0, $0x2  }
0x58: {  	_ =	swait.ge [sflag:s31], s20  }
0x59: {  	s0 =	ssub.s32 $0x0, s20;
	[sflag:s31] =	ssyncset.done $0x0  }
0x5a: {  	[sflag:s31] =	ssyncadd.s32 s0  }
0x5b: {  	s0 =	simm.s32 $0x1  }
0x5c: {  	s0 =	simm.s32 @!p0 $0x0  }
0x5d: {  	s1 =	smul.u32 $0x8100, s0;
	_ =	sdelay $0x1  }
0x5e: {  	s0 =	sshll.u32 s0, $0xD;
	s1 =	sshrl.u32 s1, $0x2  }
0x5f: {  	s26 =	simm.s32 $0x0;
	s25 =	sor.u32 $0x10, s0;
	s1 =	sor.u32 $0x4000, s1  }
.LBB1_4:
0x60: {  	s27 =	smov.u32 s25;
	s24 =	smov.u32 s1;
	s29 =	simm.s32 $0x0  }
.LBB1_5:
0x61: {  	s30 =	simm.s32 $0x0;
	s31 =	smov.u32 s27;
	s28 =	smov.u32 s24  }
.LBB1_6:
0x62: {  	v2 =	vld [tilespmem:s31+$0x10]  }
0x63: {  	v1 =	vld [tilespmem:s31+$0x0]  }
0x64: {  	v0 =	vld [tilespmem:s31+$0xFFFFFFF0];
	_ =	sdelay $0x1  }
0x65: {  	s3 =	sadd.s32 $0x0, s28  }
0x66: {  	s0 =	simm.s32 $0x4;
	s9 =	sadd.s32 $0x40, s31;
	[tilespmem:s3+$0x1020 ss:$0x81] =	vst.msk $0xffff, v2  }
.LBB1_7:
0x67: {  	v2 =	vld [tilespmem:s9+$0x10];
	p1 =	sne.s32 s0, $0x17C;
	[tilespmem:s3+$0x810 ss:$0x81] =	vst.msk $0xffff, v1;
	s5 =	smov.u32 s0;
	s0 =	sadd.s32 $0x4, s0  }
.Ltmp4:
0x68: {  	v1 =	vld [tilespmem:s9+$0x0];
	[tilespmem:s3+$0x0 ss:$0x81] =	vst.msk $0xffff, v0;
	(pc) =	sbr.rel @p1 .LBB1_7-.Ltmp4, $4  }
0x69: {  	v0 =	vld [tilespmem:s9+$0xFFFFFFF0]  }
0x6a: {  	s3 =	sshra.s32 s5, $0x2  }
0x6b: {  	s3 =	sadd.s32 s3, s28  }
0x6c: {  	s9 =	sadd.s32 $0x40, s9;
	[tilespmem:s3+$0x1020 ss:$0x81] =	vst.msk $0xffff, v2  }
0x6d: {  	s30 =	sadd.s32 $0x1, s30  }
0x6e: {  	p1 =	sne.s32 s30, s23  }
.Ltmp5:
0x6f: {  	_ = 	snop;
	(pc) =	sbr.rel @p1 .LBB1_6-.Ltmp5, $3  }
0x70: {  	_ =	sdelay $0x1  }
0x71: {  	[tilespmem:s3+$0x810 ss:$0x81] =	vst.msk $0xffff, v1  }
0x72: {  	s28 =	sadd.s32 $0x2040, s28;
	s31 =	sadd.s32 $0x2000, s31;
	[tilespmem:s3+$0x0 ss:$0x81] =	vst.msk $0xffff, v0  }
0x73: {  	s29 =	sadd.s32 $0x1, s29  }
0x74: {  	p1 =	sne.s32 s29, s22  }
.Ltmp6:
0x75: {  	_ = 	snop;
	(pc) =	sbr.rel @p1 .LBB1_5-.Ltmp6, $2  }
0x76: {  	_ =	sdelay $0x2  }
0x77: {  	s24 =	sadd.s32 $0x2040, s24;
	s27 =	sadd.s32 $0x2000, s27  }
0x78: {  	s26 =	sadd.s32 $0x1, s26  }
0x79: {  	p1 =	sne.s32 s26, s21  }
.Ltmp7:
0x7a: {  	_ = 	snop;
	(pc) =	sbr.rel @p1 .LBB1_4-.Ltmp7, $4  }
.Ltmp8:
0x7b: {  	_ = 	snop;
	(pc) =	sbr.rel @!p1 .LBB1_11-.Ltmp8, $4  }
0x7c: {  	_ = 	snop  }
0x7d: {  	_ = 	snop  }
0x7e: {  	s1 =	sadd.s32 $0x2040, s1;
	s25 =	sadd.s32 $0x2000, s25  }
0x7f: {  	_ = 	snop  }
.LBB1_13:
0x80: {  	_ =	sfence.sel $0x180000  }
0x81: {  	s0 =	simm.s32 $0x1;
	[bflag:$0x0] =	sbarrier.arrive $0xFFFF  }
0x82: {  	s30 =	simm.s32 $0x2;
	[sflag:s0] =	ssyncpa.u1 $0x1  }
0x83: {  	[sflag:s30] =	ssyncpa.u1 $0x1  }
0x84: {  	_ =	strace $0x9000004D  }
0x85: {  	s31 =	stileid.u32;
	[bflag:$0x2] =	sbarrier.arrive $0xFFFF  }
0x86: {  	p0 =	sne.s32 s31, $0x0;
	s0 =	rddreg [dreg:$0x2]  }
0x87: {  	s0 =	sadd.s32 @!p0 $0x100000, s0  }
0x88: {  	[sflag:s0] =	ssyncadd.tile.s32 @!p0 $0x1;
	_ =	shalt  }
.Lfunc_end1:
_tile_overlayer_lowered:
.L_overlay_start_2:
0x89: {  	(tag) =	ssettag $0x2  }
0x8a: {  	s0 =	rddreg [dreg:$0x0];
	s2 =	stileid.u32  }
0x8b: {  	s1 =	rddreg [dreg:$0x1];
	p0 =	sne.s32 s2, $0x0  }
0x8c: {  	s3 =	rddreg [dreg:$0x2];
	[bflag:$0x3] =	sbarrier.arrive $0xFFFF;
	s2 =	simm.s32 @!p0 $0x1C01  }
0x8d: {  	[timem:s3], [sflag:s2] =	dma.local @!p0 [hbm:s0], s1  }
0x8e: {  	s0 =	simm.s32 @!p0 $0x1  }
0x8f: {  	_ =	swait.ge @!p0 [sflag:s0], s1  }
0x90: {  	s1 =	ssub.s32 @!p0 $0x0, s1;
	[sflag:s0] =	ssyncset.done @!p0 $0x0  }
0x91: {  	[sflag:s0] =	ssyncadd.s32 @!p0 s1  }
0x92: {  	[bflag:$0x3] =	sbarrier.arrive $0xFFFF  }
0x93: {  	_ =	shalt  }

</sc_bundles>
